<compile_context>
chip_gen: v7x
topology: tpu7x:2x2x1
jax: 0.10.2.dev20260603
libtpu: 0.0.44.dev20260713+nightly
codegen_flags: <defaults>
</compile_context>

<pallas_src>
import functools

import jax
import jax.numpy as jnp
from jax import lax
from jax.experimental import pallas as pl
from jax.experimental.pallas import tpu as pltpu
from jax.experimental.pallas import tpu_sc as plsc

_VOCAB = 1_000_000
_EMB = 64
_NROWG = 8
_NCOLG = 4
_COLG = 249_984
_CHUNK = 8_064
_NCH = _COLG // _CHUNK
_TAIL_BASE = _NCOLG * _COLG
_TAIL = _VOCAB - _TAIL_BASE


def _sc_body(in_hbm, out_hbm, buf, tail_buf, in_sem0, in_sem1, out_sem0, out_sem1):
    in_sems = (in_sem0, in_sem1)
    out_sems = (out_sem0, out_sem1)
    wid = lax.axis_index("s") * 2 + lax.axis_index("c")
    rowg = wid // _NCOLG
    colg = wid % _NCOLG
    row0 = pl.multiple_of(rowg * _NROWG, 8)
    col_base = colg * _COLG

    def cols(i):
        return pl.ds(pl.multiple_of(col_base + i * _CHUNK, 128), _CHUNK)

    def in_copy(i, slot):
        return pltpu.make_async_copy(
            in_hbm.at[pl.ds(row0, _NROWG), cols(i)],
            buf.at[slot],
            in_sems[slot],
        )

    def out_copy(i, slot):
        return pltpu.make_async_copy(
            buf.at[slot],
            out_hbm.at[pl.ds(row0, _NROWG), cols(i)],
            out_sems[slot],
        )

    in_copy(0, 0).start()
    in_copy(0, 0).wait()
    out_copy(0, 0).start()
    in_copy(1, 1).start()
    in_copy(1, 1).wait()
    out_copy(1, 1).start()
    out_copy(0, 0).wait()
    in_copy(2, 0).start()

    def pair(g, _):
        for b in (0, 1):
            i = 2 * g + b
            in_copy(i, b).wait()
            out_copy(i, b).start()
            out_copy(i - 1, 1 - b).wait()
            in_copy(i + 1, 1 - b).start()
        return ()

    lax.fori_loop(1, (_NCH - 3) // 2, pair, (), unroll=1)

    i = _NCH - 3
    in_copy(i, 0).wait()
    out_copy(i, 0).start()
    out_copy(i - 1, 1).wait()
    in_copy(i + 1, 1).start()
    in_copy(i + 1, 1).wait()
    out_copy(i + 1, 1).start()
    out_copy(i, 0).wait()
    in_copy(i + 2, 0).start()
    in_copy(i + 2, 0).wait()
    out_copy(i + 2, 0).start()
    out_copy(i + 1, 1).wait()
    out_copy(i + 2, 0).wait()

    @pl.when(colg == _NCOLG - 1)
    def _():
        t_in = pltpu.make_async_copy(
            in_hbm.at[pl.ds(row0, _NROWG), pl.ds(_TAIL_BASE, _TAIL)],
            tail_buf,
            in_sems[0],
        )
        t_out = pltpu.make_async_copy(
            tail_buf,
            out_hbm.at[pl.ds(row0, _NROWG), pl.ds(_TAIL_BASE, _TAIL)],
            out_sems[0],
        )
        t_in.start()
        t_in.wait()
        t_out.start()
        t_out.wait()


def _sc_copy(W_t):
    mesh = plsc.VectorSubcoreMesh(core_axis_name="c", subcore_axis_name="s")
    k = functools.partial(
        pl.kernel,
        mesh=mesh,
        out_type=jax.ShapeDtypeStruct((_EMB, _VOCAB), jnp.float32),
        scratch_types=[
            pltpu.VMEM((2, _NROWG, _CHUNK), jnp.float32),
            pltpu.VMEM((_NROWG, _TAIL), jnp.float32),
            pltpu.SemaphoreType.DMA,
            pltpu.SemaphoreType.DMA,
            pltpu.SemaphoreType.DMA,
            pltpu.SemaphoreType.DMA,
        ],
    )(_sc_body)
    return k(W_t)


def kernel(lang, W_emb):
    del lang
    return _sc_copy(W_emb.T).T

# --- scband reference (transcript-rebuilt; emitter-appended) ---
"""Pipeline reference for scband-word-embedding-48610439856415 (READ-ONLY COPY).

The authoritative reference and input builder live on the scoring server;
editing this copy changes nothing except your own understanding.
"""

import jax, jax.numpy as jnp
import numpy as np

VOCAB = 1000000
EMB = 64
PAD_IDX = 0
DR_RATE = 0.0


def setup_inputs(seed: int = 0) -> dict:
    key = jax.random.key(seed)
    W_emb = jax.random.normal(key, (VOCAB, EMB), dtype=jnp.float32) * 0.02
    # padding_idx row is zero-initialized in nn.Embedding
    W_emb = W_emb.at[PAD_IDX].set(0.0)
    return {"lang": 0, "W_emb": W_emb}


def reference(lang, W_emb):
    # Word_Embedding.forward(lang): selects emb_list[lang].weight and applies dropout.
    # lang_size == 1 and pretrained_emb is None, so this is the non-pretrained branch:
    #   return self.emb_dropout(W_emb)
    # dr_rate == 0.0 (and eval-mode reference), so dropout is the identity map.
    W = W_emb  # self.emb_list[lang].weight with lang == 0
    out = W * (1.0 - DR_RATE)  # deterministic (eval) dropout == identity for p=0
    return out

if __name__ == "__main__":
    import jax
    _d = setup_inputs()
    print(jax.jit(kernel)(*tuple(_d.values())))

</pallas_src>

<mosaic_0001>
#map = affine_map<(d0, d1) -> (0, 0)>
module attributes {stable_mosaic.version = 14 : i64} {
  func.func @_sc_body(%arg0: i32, %arg1: i32, %arg2: memref<64x1000000xf32, #tpu.memory_space<hbm>>, %arg3: memref<64x1000000xf32, #tpu.memory_space<hbm>>, %arg4: memref<2x8x8064xf32, #tpu.memory_space<vmem>>, %arg5: memref<8x64xf32, #tpu.memory_space<vmem>>, %arg6: memref<!tpu.dma_semaphore, #tpu.memory_space<semaphore_mem>>, %arg7: memref<!tpu.dma_semaphore, #tpu.memory_space<semaphore_mem>>, %arg8: memref<!tpu.dma_semaphore, #tpu.memory_space<semaphore_mem>>, %arg9: memref<!tpu.dma_semaphore, #tpu.memory_space<semaphore_mem>>) attributes {dimension_semantics = [#tpu.dimension_semantics<core_parallel>, #tpu.dimension_semantics<subcore_parallel>], iteration_bounds = array<i64: 2, 16>, scalar_prefetch = 0 : i64, scratch_operands = 6 : i64, tpu.core_type = #tpu.core_type<sc_vector_subcore>, window_params = [{transform_indices = #map}, {transform_indices = #map}]} {
    %mul3A = arith.constant 2 : i32
    %mul3A_0 = arith.muli %arg1, %mul3A : i32
    %add3A = arith.addi %mul3A_0, %arg0 : i32
    %jit3A = arith.constant 4 : i32
    %div3A = arith.divsi %add3A, %jit3A : i32
    %sign3A = arith.constant 0 : i32
    %sign3A_1 = arith.cmpi sgt, %add3A, %sign3A : i32
    %sign3A_2 = arith.extui %sign3A_1 : i1 to i32
    %sign3A_3 = arith.constant 0 : i32
    %sign3A_4 = arith.cmpi slt, %add3A, %sign3A_3 : i32
    %sign3A_5 = arith.extui %sign3A_4 : i1 to i32
    %sign3A_6 = arith.subi %sign3A_2, %sign3A_5 : i32
    %sign3A_7 = arith.constant 0 : i32
    %sign3A_8 = arith.cmpi sgt, %jit3A, %sign3A_7 : i32
    %sign3A_9 = arith.extui %sign3A_8 : i1 to i32
    %sign3A_10 = arith.constant 0 : i32
    %sign3A_11 = arith.cmpi slt, %jit3A, %sign3A_10 : i32
    %sign3A_12 = arith.extui %sign3A_11 : i1 to i32
    %sign3A_13 = arith.subi %sign3A_9, %sign3A_12 : i32
    %ne3A = arith.cmpi ne, %sign3A_6, %sign3A_13 : i32
    %rem3A = arith.remsi %add3A, %jit3A : i32
    %ne3A_14 = arith.constant 0 : i32
    %ne3A_15 = arith.cmpi ne, %rem3A, %ne3A_14 : i32
    %and3A = arith.andi %ne3A, %ne3A_15 : i1
    %sub3A = arith.constant 1 : i32
    %sub3A_16 = arith.subi %div3A, %sub3A : i32
    %select_n3A = arith.select %and3A, %sub3A_16, %div3A : i32
    %jit3A_17 = arith.constant 4 : i32
    %eq3A = arith.constant 0 : i32
    %eq3A_18 = arith.cmpi eq, %jit3A_17, %eq3A : i32
    %jit3A_19 = arith.constant 1 : i32
    %select_n3A_20 = arith.select %eq3A_18, %jit3A_19, %jit3A_17 : i32
    %rem3A_21 = arith.remsi %add3A, %select_n3A_20 : i32
    %ne3A_22 = arith.constant 0 : i32
    %ne3A_23 = arith.cmpi ne, %rem3A_21, %ne3A_22 : i32
    %lt3A = arith.constant 0 : i32
    %lt3A_24 = arith.cmpi slt, %rem3A_21, %lt3A : i32
    %lt3A_25 = arith.constant 0 : i32
    %lt3A_26 = arith.cmpi slt, %select_n3A_20, %lt3A_25 : i32
    %ne3A_27 = arith.xori %lt3A_24, %lt3A_26 : i1
    %and3A_28 = arith.andi %ne3A_27, %ne3A_23 : i1
    %add3A_29 = arith.addi %rem3A_21, %select_n3A_20 : i32
    %select_n3A_30 = arith.select %and3A_28, %add3A_29, %rem3A_21 : i32
    %mul3A_31 = arith.constant 8 : i32
    %mul3A_32 = arith.muli %select_n3A, %mul3A_31 : i32
    %multiple_of3A = tpu.assume_multiple %mul3A_32, 8 : i32
    %mul3A_33 = arith.constant 249984 : i32
    %mul3A_34 = arith.muli %select_n3A_30, %mul3A_33 : i32
    %add3A_35 = arith.constant 0 : i32
    %add3A_36 = arith.addi %mul3A_34, %add3A_35 : i32
    %multiple_of3A_37 = tpu.assume_multiple %add3A_36, 128 : i32
    %dma_start3A = arith.constant 0 : i32
    %dma_start3A_38 = arith.constant 0 : i32
    %dma_start3A_39 = arith.constant 0 : i32
    %dma_start3A_40 = tpu.memref_slice %arg4[%dma_start3A, %dma_start3A_38, %dma_start3A_39] : memref<2x8x8064xf32, #tpu.memory_space<vmem>> -> memref<1x8x8064xf32, #tpu.memory_space<vmem>>
    %dma_start3A_41 = tpu.memref_squeeze %dma_start3A_40 : memref<1x8x8064xf32, #tpu.memory_space<vmem>> -> memref<8x8064xf32, #tpu.memory_space<vmem>>
    %dma_start3A_42 = tpu.memref_slice %arg2[%multiple_of3A, %multiple_of3A_37] : memref<64x1000000xf32, #tpu.memory_space<hbm>> -> memref<8x8064xf32, #tpu.memory_space<hbm>>
    %dma_start3A_43 = arith.constant 0 : i32
    %dma_start3A_44 = arith.constant 0 : i32
    %dma_start3A_45 = tpu.memref_slice %arg4[%dma_start3A, %dma_start3A_43, %dma_start3A_44] : memref<2x8x8064xf32, #tpu.memory_space<vmem>> -> memref<1x8x8064xf32, #tpu.memory_space<vmem>>
    %dma_start3A_46 = tpu.memref_squeeze %dma_start3A_45 : memref<1x8x8064xf32, #tpu.memory_space<vmem>> -> memref<8x8064xf32, #tpu.memory_space<vmem>>
    %dma_start3A_47 = tpu.memref_slice %arg2[%multiple_of3A, %multiple_of3A_37] : memref<64x1000000xf32, #tpu.memory_space<hbm>> -> memref<8x8064xf32, #tpu.memory_space<hbm>>
    tpu.enqueue_dma source(%dma_start3A_47 : memref<8x8064xf32, #tpu.memory_space<hbm>>) target(%dma_start3A_46 : memref<8x8064xf32, #tpu.memory_space<vmem>>) target_semaphore(%arg6 : memref<!tpu.dma_semaphore, #tpu.memory_space<semaphore_mem>>)
    %add3A_48 = arith.constant 0 : i32
    %add3A_49 = arith.addi %mul3A_34, %add3A_48 : i32
    %multiple_of3A_50 = tpu.assume_multiple %add3A_49, 128 : i32
    %dma_wait3A = arith.constant 0 : i32
    %dma_wait3A_51 = arith.constant 0 : i32
    %dma_wait3A_52 = arith.constant 0 : i32
    %dma_wait3A_53 = tpu.memref_slice %arg4[%dma_wait3A, %dma_wait3A_51, %dma_wait3A_52] : memref<2x8x8064xf32, #tpu.memory_space<vmem>> -> memref<1x8x8064xf32, #tpu.memory_space<vmem>>
    %dma_wait3A_54 = tpu.memref_squeeze %dma_wait3A_53 : memref<1x8x8064xf32, #tpu.memory_space<vmem>> -> memref<8x8064xf32, #tpu.memory_space<vmem>>
    %dma_wait3A_55 = tpu.memref_slice %arg2[%multiple_of3A, %multiple_of3A_50] : memref<64x1000000xf32, #tpu.memory_space<hbm>> -> memref<8x8064xf32, #tpu.memory_space<hbm>>
    %dma_wait3A_56 = arith.constant 0 : i32
    %dma_wait3A_57 = arith.constant 0 : i32
    %dma_wait3A_58 = tpu.memref_slice %arg4[%dma_wait3A, %dma_wait3A_56, %dma_wait3A_57] : memref<2x8x8064xf32, #tpu.memory_space<vmem>> -> memref<1x8x8064xf32, #tpu.memory_space<vmem>>
    %dma_wait3A_59 = tpu.memref_squeeze %dma_wait3A_58 : memref<1x8x8064xf32, #tpu.memory_space<vmem>> -> memref<8x8064xf32, #tpu.memory_space<vmem>>
    %dma_wait3A_60 = tpu.memref_slice %arg2[%multiple_of3A, %multiple_of3A_50] : memref<64x1000000xf32, #tpu.memory_space<hbm>> -> memref<8x8064xf32, #tpu.memory_space<hbm>>
    tpu.wait_dma2 semaphore(%arg6 : memref<!tpu.dma_semaphore, #tpu.memory_space<semaphore_mem>>) src(%dma_wait3A_60 : memref<8x8064xf32, #tpu.memory_space<hbm>>) dst(%dma_wait3A_59 : memref<8x8064xf32, #tpu.memory_space<vmem>>)
    %add3A_61 = arith.constant 0 : i32
    %add3A_62 = arith.addi %mul3A_34, %add3A_61 : i32
    %multiple_of3A_63 = tpu.assume_multiple %add3A_62, 128 : i32
    %dma_start3A_64 = arith.constant 0 : i32
    %dma_start3A_65 = arith.constant 0 : i32
    %dma_start3A_66 = arith.constant 0 : i32
    %dma_start3A_67 = tpu.memref_slice %arg4[%dma_start3A_64, %dma_start3A_65, %dma_start3A_66] : memref<2x8x8064xf32, #tpu.memory_space<vmem>> -> memref<1x8x8064xf32, #tpu.memory_space<vmem>>
    %dma_start3A_68 = tpu.memref_squeeze %dma_start3A_67 : memref<1x8x8064xf32, #tpu.memory_space<vmem>> -> memref<8x8064xf32, #tpu.memory_space<vmem>>
    %dma_start3A_69 = tpu.memref_slice %arg3[%multiple_of3A, %multiple_of3A_63] : memref<64x1000000xf32, #tpu.memory_space<hbm>> -> memref<8x8064xf32, #tpu.memory_space<hbm>>
    %dma_start3A_70 = tpu.memref_slice %arg3[%multiple_of3A, %multiple_of3A_63] : memref<64x1000000xf32, #tpu.memory_space<hbm>> -> memref<8x8064xf32, #tpu.memory_space<hbm>>
    %dma_start3A_71 = arith.constant 0 : i32
    %dma_start3A_72 = arith.constant 0 : i32
    %dma_start3A_73 = tpu.memref_slice %arg4[%dma_start3A_64, %dma_start3A_71, %dma_start3A_72] : memref<2x8x8064xf32, #tpu.memory_space<vmem>> -> memref<1x8x8064xf32, #tpu.memory_space<vmem>>
    %dma_start3A_74 = tpu.memref_squeeze %dma_start3A_73 : memref<1x8x8064xf32, #tpu.memory_space<vmem>> -> memref<8x8064xf32, #tpu.memory_space<vmem>>
    tpu.enqueue_dma source(%dma_start3A_74 : memref<8x8064xf32, #tpu.memory_space<vmem>>) target(%dma_start3A_70 : memref<8x8064xf32, #tpu.memory_space<hbm>>) target_semaphore(%arg8 : memref<!tpu.dma_semaphore, #tpu.memory_space<semaphore_mem>>)
    %add3A_75 = arith.constant 8064 : i32
    %add3A_76 = arith.addi %mul3A_34, %add3A_75 : i32
    %multiple_of3A_77 = tpu.assume_multiple %add3A_76, 128 : i32
    %dma_start3A_78 = arith.constant 1 : i32
    %dma_start3A_79 = arith.constant 0 : i32
    %dma_start3A_80 = arith.constant 0 : i32
    %dma_start3A_81 = tpu.memref_slice %arg4[%dma_start3A_78, %dma_start3A_79, %dma_start3A_80] : memref<2x8x8064xf32, #tpu.memory_space<vmem>> -> memref<1x8x8064xf32, #tpu.memory_space<vmem>>
    %dma_start3A_82 = tpu.memref_squeeze %dma_start3A_81 : memref<1x8x8064xf32, #tpu.memory_space<vmem>> -> memref<8x8064xf32, #tpu.memory_space<vmem>>
    %dma_start3A_83 = tpu.memref_slice %arg2[%multiple_of3A, %multiple_of3A_77] : memref<64x1000000xf32, #tpu.memory_space<hbm>> -> memref<8x8064xf32, #tpu.memory_space<hbm>>
    %dma_start3A_84 = arith.constant 0 : i32
    %dma_start3A_85 = arith.constant 0 : i32
    %dma_start3A_86 = tpu.memref_slice %arg4[%dma_start3A_78, %dma_start3A_84, %dma_start3A_85] : memref<2x8x8064xf32, #tpu.memory_space<vmem>> -> memref<1x8x8064xf32, #tpu.memory_space<vmem>>
    %dma_start3A_87 = tpu.memref_squeeze %dma_start3A_86 : memref<1x8x8064xf32, #tpu.memory_space<vmem>> -> memref<8x8064xf32, #tpu.memory_space<vmem>>
    %dma_start3A_88 = tpu.memref_slice %arg2[%multiple_of3A, %multiple_of3A_77] : memref<64x1000000xf32, #tpu.memory_space<hbm>> -> memref<8x8064xf32, #tpu.memory_space<hbm>>
    tpu.enqueue_dma source(%dma_start3A_88 : memref<8x8064xf32, #tpu.memory_space<hbm>>) target(%dma_start3A_87 : memref<8x8064xf32, #tpu.memory_space<vmem>>) target_semaphore(%arg7 : memref<!tpu.dma_semaphore, #tpu.memory_space<semaphore_mem>>)
    %add3A_89 = arith.constant 8064 : i32
    %add3A_90 = arith.addi %mul3A_34, %add3A_89 : i32
    %multiple_of3A_91 = tpu.assume_multiple %add3A_90, 128 : i32
    %dma_wait3A_92 = arith.constant 1 : i32
    %dma_wait3A_93 = arith.constant 0 : i32
    %dma_wait3A_94 = arith.constant 0 : i32
    %dma_wait3A_95 = tpu.memref_slice %arg4[%dma_wait3A_92, %dma_wait3A_93, %dma_wait3A_94] : memref<2x8x8064xf32, #tpu.memory_space<vmem>> -> memref<1x8x8064xf32, #tpu.memory_space<vmem>>
    %dma_wait3A_96 = tpu.memref_squeeze %dma_wait3A_95 : memref<1x8x8064xf32, #tpu.memory_space<vmem>> -> memref<8x8064xf32, #tpu.memory_space<vmem>>
    %dma_wait3A_97 = tpu.memref_slice %arg2[%multiple_of3A, %multiple_of3A_91] : memref<64x1000000xf32, #tpu.memory_space<hbm>> -> memref<8x8064xf32, #tpu.memory_space<hbm>>
    %dma_wait3A_98 = arith.constant 0 : i32
    %dma_wait3A_99 = arith.constant 0 : i32
    %dma_wait3A_100 = tpu.memref_slice %arg4[%dma_wait3A_92, %dma_wait3A_98, %dma_wait3A_99] : memref<2x8x8064xf32, #tpu.memory_space<vmem>> -> memref<1x8x8064xf32, #tpu.memory_space<vmem>>
    %dma_wait3A_101 = tpu.memref_squeeze %dma_wait3A_100 : memref<1x8x8064xf32, #tpu.memory_space<vmem>> -> memref<8x8064xf32, #tpu.memory_space<vmem>>
    %dma_wait3A_102 = tpu.memref_slice %arg2[%multiple_of3A, %multiple_of3A_91] : memref<64x1000000xf32, #tpu.memory_space<hbm>> -> memref<8x8064xf32, #tpu.memory_space<hbm>>
    tpu.wait_dma2 semaphore(%arg7 : memref<!tpu.dma_semaphore, #tpu.memory_space<semaphore_mem>>) src(%dma_wait3A_102 : memref<8x8064xf32, #tpu.memory_space<hbm>>) dst(%dma_wait3A_101 : memref<8x8064xf32, #tpu.memory_space<vmem>>)
    %add3A_103 = arith.constant 8064 : i32
    %add3A_104 = arith.addi %mul3A_34, %add3A_103 : i32
    %multiple_of3A_105 = tpu.assume_multiple %add3A_104, 128 : i32
    %dma_start3A_106 = arith.constant 1 : i32
    %dma_start3A_107 = arith.constant 0 : i32
    %dma_start3A_108 = arith.constant 0 : i32
    %dma_start3A_109 = tpu.memref_slice %arg4[%dma_start3A_106, %dma_start3A_107, %dma_start3A_108] : memref<2x8x8064xf32, #tpu.memory_space<vmem>> -> memref<1x8x8064xf32, #tpu.memory_space<vmem>>
    %dma_start3A_110 = tpu.memref_squeeze %dma_start3A_109 : memref<1x8x8064xf32, #tpu.memory_space<vmem>> -> memref<8x8064xf32, #tpu.memory_space<vmem>>
    %dma_start3A_111 = tpu.memref_slice %arg3[%multiple_of3A, %multiple_of3A_105] : memref<64x1000000xf32, #tpu.memory_space<hbm>> -> memref<8x8064xf32, #tpu.memory_space<hbm>>
    %dma_start3A_112 = tpu.memref_slice %arg3[%multiple_of3A, %multiple_of3A_105] : memref<64x1000000xf32, #tpu.memory_space<hbm>> -> memref<8x8064xf32, #tpu.memory_space<hbm>>
    %dma_start3A_113 = arith.constant 0 : i32
    %dma_start3A_114 = arith.constant 0 : i32
    %dma_start3A_115 = tpu.memref_slice %arg4[%dma_start3A_106, %dma_start3A_113, %dma_start3A_114] : memref<2x8x8064xf32, #tpu.memory_space<vmem>> -> memref<1x8x8064xf32, #tpu.memory_space<vmem>>
    %dma_start3A_116 = tpu.memref_squeeze %dma_start3A_115 : memref<1x8x8064xf32, #tpu.memory_space<vmem>> -> memref<8x8064xf32, #tpu.memory_space<vmem>>
    tpu.enqueue_dma source(%dma_start3A_116 : memref<8x8064xf32, #tpu.memory_space<vmem>>) target(%dma_start3A_112 : memref<8x8064xf32, #tpu.memory_space<hbm>>) target_semaphore(%arg9 : memref<!tpu.dma_semaphore, #tpu.memory_space<semaphore_mem>>)
    %add3A_117 = arith.constant 0 : i32
    %add3A_118 = arith.addi %mul3A_34, %add3A_117 : i32
    %multiple_of3A_119 = tpu.assume_multiple %add3A_118, 128 : i32
    %dma_wait3A_120 = arith.constant 0 : i32
    %dma_wait3A_121 = arith.constant 0 : i32
    %dma_wait3A_122 = arith.constant 0 : i32
    %dma_wait3A_123 = tpu.memref_slice %arg4[%dma_wait3A_120, %dma_wait3A_121, %dma_wait3A_122] : memref<2x8x8064xf32, #tpu.memory_space<vmem>> -> memref<1x8x8064xf32, #tpu.memory_space<vmem>>
    %dma_wait3A_124 = tpu.memref_squeeze %dma_wait3A_123 : memref<1x8x8064xf32, #tpu.memory_space<vmem>> -> memref<8x8064xf32, #tpu.memory_space<vmem>>
    %dma_wait3A_125 = tpu.memref_slice %arg3[%multiple_of3A, %multiple_of3A_119] : memref<64x1000000xf32, #tpu.memory_space<hbm>> -> memref<8x8064xf32, #tpu.memory_space<hbm>>
    %dma_wait3A_126 = tpu.memref_slice %arg3[%multiple_of3A, %multiple_of3A_119] : memref<64x1000000xf32, #tpu.memory_space<hbm>> -> memref<8x8064xf32, #tpu.memory_space<hbm>>
    %dma_wait3A_127 = arith.constant 0 : i32
    %dma_wait3A_128 = arith.constant 0 : i32
    %dma_wait3A_129 = tpu.memref_slice %arg4[%dma_wait3A_120, %dma_wait3A_127, %dma_wait3A_128] : memref<2x8x8064xf32, #tpu.memory_space<vmem>> -> memref<1x8x8064xf32, #tpu.memory_space<vmem>>
    %dma_wait3A_130 = tpu.memref_squeeze %dma_wait3A_129 : memref<1x8x8064xf32, #tpu.memory_space<vmem>> -> memref<8x8064xf32, #tpu.memory_space<vmem>>
    tpu.wait_dma2 semaphore(%arg8 : memref<!tpu.dma_semaphore, #tpu.memory_space<semaphore_mem>>) src(%dma_wait3A_130 : memref<8x8064xf32, #tpu.memory_space<vmem>>) dst(%dma_wait3A_126 : memref<8x8064xf32, #tpu.memory_space<hbm>>)
    %add3A_131 = arith.constant 16128 : i32
    %add3A_132 = arith.addi %mul3A_34, %add3A_131 : i32
    %multiple_of3A_133 = tpu.assume_multiple %add3A_132, 128 : i32
    %dma_start3A_134 = arith.constant 0 : i32
    %dma_start3A_135 = arith.constant 0 : i32
    %dma_start3A_136 = arith.constant 0 : i32
    %dma_start3A_137 = tpu.memref_slice %arg4[%dma_start3A_134, %dma_start3A_135, %dma_start3A_136] : memref<2x8x8064xf32, #tpu.memory_space<vmem>> -> memref<1x8x8064xf32, #tpu.memory_space<vmem>>
    %dma_start3A_138 = tpu.memref_squeeze %dma_start3A_137 : memref<1x8x8064xf32, #tpu.memory_space<vmem>> -> memref<8x8064xf32, #tpu.memory_space<vmem>>
    %dma_start3A_139 = tpu.memref_slice %arg2[%multiple_of3A, %multiple_of3A_133] : memref<64x1000000xf32, #tpu.memory_space<hbm>> -> memref<8x8064xf32, #tpu.memory_space<hbm>>
    %dma_start3A_140 = arith.constant 0 : i32
    %dma_start3A_141 = arith.constant 0 : i32
    %dma_start3A_142 = tpu.memref_slice %arg4[%dma_start3A_134, %dma_start3A_140, %dma_start3A_141] : memref<2x8x8064xf32, #tpu.memory_space<vmem>> -> memref<1x8x8064xf32, #tpu.memory_space<vmem>>
    %dma_start3A_143 = tpu.memref_squeeze %dma_start3A_142 : memref<1x8x8064xf32, #tpu.memory_space<vmem>> -> memref<8x8064xf32, #tpu.memory_space<vmem>>
    %dma_start3A_144 = tpu.memref_slice %arg2[%multiple_of3A, %multiple_of3A_133] : memref<64x1000000xf32, #tpu.memory_space<hbm>> -> memref<8x8064xf32, #tpu.memory_space<hbm>>
    tpu.enqueue_dma source(%dma_start3A_144 : memref<8x8064xf32, #tpu.memory_space<hbm>>) target(%dma_start3A_143 : memref<8x8064xf32, #tpu.memory_space<vmem>>) target_semaphore(%arg6 : memref<!tpu.dma_semaphore, #tpu.memory_space<semaphore_mem>>)
    %scan3A = arith.constant 1 : i32
    %scan3A_145 = arith.constant 13 : i32
    %scan3A_146 = arith.addi %scan3A, %scan3A_145 : i32
    %scan3A_147 = arith.constant 1 : i32
    scf.for %scan3A_320 = %scan3A to %scan3A_146 step %scan3A_147  : i32 {
      %mul3A_321 = arith.constant 2 : i32
      %mul3A_322 = arith.muli %mul3A_321, %scan3A_320 : i32
      %add3A_323 = arith.constant 0 : i32
      %add3A_324 = arith.addi %mul3A_322, %add3A_323 : i32
      %mul3A_325 = arith.constant 8064 : i32
      %mul3A_326 = arith.muli %add3A_324, %mul3A_325 : i32
      %add3A_327 = arith.addi %mul3A_34, %mul3A_326 : i32
      %multiple_of3A_328 = tpu.assume_multiple %add3A_327, 128 : i32
      %dma_wait3A_329 = arith.constant 0 : i32
      %dma_wait3A_330 = arith.constant 0 : i32
      %dma_wait3A_331 = arith.constant 0 : i32
      %dma_wait3A_332 = tpu.memref_slice %arg4[%dma_wait3A_329, %dma_wait3A_330, %dma_wait3A_331] : memref<2x8x8064xf32, #tpu.memory_space<vmem>> -> memref<1x8x8064xf32, #tpu.memory_space<vmem>>
      %dma_wait3A_333 = tpu.memref_squeeze %dma_wait3A_332 : memref<1x8x8064xf32, #tpu.memory_space<vmem>> -> memref<8x8064xf32, #tpu.memory_space<vmem>>
      %dma_wait3A_334 = tpu.memref_slice %arg2[%multiple_of3A, %multiple_of3A_328] : memref<64x1000000xf32, #tpu.memory_space<hbm>> -> memref<8x8064xf32, #tpu.memory_space<hbm>>
      %dma_wait3A_335 = arith.constant 0 : i32
      %dma_wait3A_336 = arith.constant 0 : i32
      %dma_wait3A_337 = tpu.memref_slice %arg4[%dma_wait3A_329, %dma_wait3A_335, %dma_wait3A_336] : memref<2x8x8064xf32, #tpu.memory_space<vmem>> -> memref<1x8x8064xf32, #tpu.memory_space<vmem>>
      %dma_wait3A_338 = tpu.memref_squeeze %dma_wait3A_337 : memref<1x8x8064xf32, #tpu.memory_space<vmem>> -> memref<8x8064xf32, #tpu.memory_space<vmem>>
      %dma_wait3A_339 = tpu.memref_slice %arg2[%multiple_of3A, %multiple_of3A_328] : memref<64x1000000xf32, #tpu.memory_space<hbm>> -> memref<8x8064xf32, #tpu.memory_space<hbm>>
      tpu.wait_dma2 semaphore(%arg6 : memref<!tpu.dma_semaphore, #tpu.memory_space<semaphore_mem>>) src(%dma_wait3A_339 : memref<8x8064xf32, #tpu.memory_space<hbm>>) dst(%dma_wait3A_338 : memref<8x8064xf32, #tpu.memory_space<vmem>>)
      %mul3A_340 = arith.constant 8064 : i32
      %mul3A_341 = arith.muli %add3A_324, %mul3A_340 : i32
      %add3A_342 = arith.addi %mul3A_34, %mul3A_341 : i32
      %multiple_of3A_343 = tpu.assume_multiple %add3A_342, 128 : i32
      %dma_start3A_344 = arith.constant 0 : i32
      %dma_start3A_345 = arith.constant 0 : i32
      %dma_start3A_346 = arith.constant 0 : i32
      %dma_start3A_347 = tpu.memref_slice %arg4[%dma_start3A_344, %dma_start3A_345, %dma_start3A_346] : memref<2x8x8064xf32, #tpu.memory_space<vmem>> -> memref<1x8x8064xf32, #tpu.memory_space<vmem>>
      %dma_start3A_348 = tpu.memref_squeeze %dma_start3A_347 : memref<1x8x8064xf32, #tpu.memory_space<vmem>> -> memref<8x8064xf32, #tpu.memory_space<vmem>>
      %dma_start3A_349 = tpu.memref_slice %arg3[%multiple_of3A, %multiple_of3A_343] : memref<64x1000000xf32, #tpu.memory_space<hbm>> -> memref<8x8064xf32, #tpu.memory_space<hbm>>
      %dma_start3A_350 = tpu.memref_slice %arg3[%multiple_of3A, %multiple_of3A_343] : memref<64x1000000xf32, #tpu.memory_space<hbm>> -> memref<8x8064xf32, #tpu.memory_space<hbm>>
      %dma_start3A_351 = arith.constant 0 : i32
      %dma_start3A_352 = arith.constant 0 : i32
      %dma_start3A_353 = tpu.memref_slice %arg4[%dma_start3A_344, %dma_start3A_351, %dma_start3A_352] : memref<2x8x8064xf32, #tpu.memory_space<vmem>> -> memref<1x8x8064xf32, #tpu.memory_space<vmem>>
      %dma_start3A_354 = tpu.memref_squeeze %dma_start3A_353 : memref<1x8x8064xf32, #tpu.memory_space<vmem>> -> memref<8x8064xf32, #tpu.memory_space<vmem>>
      tpu.enqueue_dma source(%dma_start3A_354 : memref<8x8064xf32, #tpu.memory_space<vmem>>) target(%dma_start3A_350 : memref<8x8064xf32, #tpu.memory_space<hbm>>) target_semaphore(%arg8 : memref<!tpu.dma_semaphore, #tpu.memory_space<semaphore_mem>>)
      %sub3A_355 = arith.constant 1 : i32
      %sub3A_356 = arith.subi %add3A_324, %sub3A_355 : i32
      %mul3A_357 = arith.constant 8064 : i32
      %mul3A_358 = arith.muli %sub3A_356, %mul3A_357 : i32
      %add3A_359 = arith.addi %mul3A_34, %mul3A_358 : i32
      %multiple_of3A_360 = tpu.assume_multiple %add3A_359, 128 : i32
      %dma_wait3A_361 = arith.constant 1 : i32
      %dma_wait3A_362 = arith.constant 0 : i32
      %dma_wait3A_363 = arith.constant 0 : i32
      %dma_wait3A_364 = tpu.memref_slice %arg4[%dma_wait3A_361, %dma_wait3A_362, %dma_wait3A_363] : memref<2x8x8064xf32, #tpu.memory_space<vmem>> -> memref<1x8x8064xf32, #tpu.memory_space<vmem>>
      %dma_wait3A_365 = tpu.memref_squeeze %dma_wait3A_364 : memref<1x8x8064xf32, #tpu.memory_space<vmem>> -> memref<8x8064xf32, #tpu.memory_space<vmem>>
      %dma_wait3A_366 = tpu.memref_slice %arg3[%multiple_of3A, %multiple_of3A_360] : memref<64x1000000xf32, #tpu.memory_space<hbm>> -> memref<8x8064xf32, #tpu.memory_space<hbm>>
      %dma_wait3A_367 = tpu.memref_slice %arg3[%multiple_of3A, %multiple_of3A_360] : memref<64x1000000xf32, #tpu.memory_space<hbm>> -> memref<8x8064xf32, #tpu.memory_space<hbm>>
      %dma_wait3A_368 = arith.constant 0 : i32
      %dma_wait3A_369 = arith.constant 0 : i32
      %dma_wait3A_370 = tpu.memref_slice %arg4[%dma_wait3A_361, %dma_wait3A_368, %dma_wait3A_369] : memref<2x8x8064xf32, #tpu.memory_space<vmem>> -> memref<1x8x8064xf32, #tpu.memory_space<vmem>>
      %dma_wait3A_371 = tpu.memref_squeeze %dma_wait3A_370 : memref<1x8x8064xf32, #tpu.memory_space<vmem>> -> memref<8x8064xf32, #tpu.memory_space<vmem>>
      tpu.wait_dma2 semaphore(%arg9 : memref<!tpu.dma_semaphore, #tpu.memory_space<semaphore_mem>>) src(%dma_wait3A_371 : memref<8x8064xf32, #tpu.memory_space<vmem>>) dst(%dma_wait3A_367 : memref<8x8064xf32, #tpu.memory_space<hbm>>)
      %add3A_372 = arith.constant 1 : i32
      %add3A_373 = arith.addi %add3A_324, %add3A_372 : i32
      %mul3A_374 = arith.constant 8064 : i32
      %mul3A_375 = arith.muli %add3A_373, %mul3A_374 : i32
      %add3A_376 = arith.addi %mul3A_34, %mul3A_375 : i32
      %multiple_of3A_377 = tpu.assume_multiple %add3A_376, 128 : i32
      %dma_start3A_378 = arith.constant 1 : i32
      %dma_start3A_379 = arith.constant 0 : i32
      %dma_start3A_380 = arith.constant 0 : i32
      %dma_start3A_381 = tpu.memref_slice %arg4[%dma_start3A_378, %dma_start3A_379, %dma_start3A_380] : memref<2x8x8064xf32, #tpu.memory_space<vmem>> -> memref<1x8x8064xf32, #tpu.memory_space<vmem>>
      %dma_start3A_382 = tpu.memref_squeeze %dma_start3A_381 : memref<1x8x8064xf32, #tpu.memory_space<vmem>> -> memref<8x8064xf32, #tpu.memory_space<vmem>>
      %dma_start3A_383 = tpu.memref_slice %arg2[%multiple_of3A, %multiple_of3A_377] : memref<64x1000000xf32, #tpu.memory_space<hbm>> -> memref<8x8064xf32, #tpu.memory_space<hbm>>
      %dma_start3A_384 = arith.constant 0 : i32
      %dma_start3A_385 = arith.constant 0 : i32
      %dma_start3A_386 = tpu.memref_slice %arg4[%dma_start3A_378, %dma_start3A_384, %dma_start3A_385] : memref<2x8x8064xf32, #tpu.memory_space<vmem>> -> memref<1x8x8064xf32, #tpu.memory_space<vmem>>
      %dma_start3A_387 = tpu.memref_squeeze %dma_start3A_386 : memref<1x8x8064xf32, #tpu.memory_space<vmem>> -> memref<8x8064xf32, #tpu.memory_space<vmem>>
      %dma_start3A_388 = tpu.memref_slice %arg2[%multiple_of3A, %multiple_of3A_377] : memref<64x1000000xf32, #tpu.memory_space<hbm>> -> memref<8x8064xf32, #tpu.memory_space<hbm>>
      tpu.enqueue_dma source(%dma_start3A_388 : memref<8x8064xf32, #tpu.memory_space<hbm>>) target(%dma_start3A_387 : memref<8x8064xf32, #tpu.memory_space<vmem>>) target_semaphore(%arg7 : memref<!tpu.dma_semaphore, #tpu.memory_space<semaphore_mem>>)
      %mul3A_389 = arith.constant 2 : i32
      %mul3A_390 = arith.muli %mul3A_389, %scan3A_320 : i32
      %add3A_391 = arith.constant 1 : i32
      %add3A_392 = arith.addi %mul3A_390, %add3A_391 : i32
      %mul3A_393 = arith.constant 8064 : i32
      %mul3A_394 = arith.muli %add3A_392, %mul3A_393 : i32
      %add3A_395 = arith.addi %mul3A_34, %mul3A_394 : i32
      %multiple_of3A_396 = tpu.assume_multiple %add3A_395, 128 : i32
      %dma_wait3A_397 = arith.constant 1 : i32
      %dma_wait3A_398 = arith.constant 0 : i32
      %dma_wait3A_399 = arith.constant 0 : i32
      %dma_wait3A_400 = tpu.memref_slice %arg4[%dma_wait3A_397, %dma_wait3A_398, %dma_wait3A_399] : memref<2x8x8064xf32, #tpu.memory_space<vmem>> -> memref<1x8x8064xf32, #tpu.memory_space<vmem>>
      %dma_wait3A_401 = tpu.memref_squeeze %dma_wait3A_400 : memref<1x8x8064xf32, #tpu.memory_space<vmem>> -> memref<8x8064xf32, #tpu.memory_space<vmem>>
      %dma_wait3A_402 = tpu.memref_slice %arg2[%multiple_of3A, %multiple_of3A_396] : memref<64x1000000xf32, #tpu.memory_space<hbm>> -> memref<8x8064xf32, #tpu.memory_space<hbm>>
      %dma_wait3A_403 = arith.constant 0 : i32
      %dma_wait3A_404 = arith.constant 0 : i32
      %dma_wait3A_405 = tpu.memref_slice %arg4[%dma_wait3A_397, %dma_wait3A_403, %dma_wait3A_404] : memref<2x8x8064xf32, #tpu.memory_space<vmem>> -> memref<1x8x8064xf32, #tpu.memory_space<vmem>>
      %dma_wait3A_406 = tpu.memref_squeeze %dma_wait3A_405 : memref<1x8x8064xf32, #tpu.memory_space<vmem>> -> memref<8x8064xf32, #tpu.memory_space<vmem>>
      %dma_wait3A_407 = tpu.memref_slice %arg2[%multiple_of3A, %multiple_of3A_396] : memref<64x1000000xf32, #tpu.memory_space<hbm>> -> memref<8x8064xf32, #tpu.memory_space<hbm>>
      tpu.wait_dma2 semaphore(%arg7 : memref<!tpu.dma_semaphore, #tpu.memory_space<semaphore_mem>>) src(%dma_wait3A_407 : memref<8x8064xf32, #tpu.memory_space<hbm>>) dst(%dma_wait3A_406 : memref<8x8064xf32, #tpu.memory_space<vmem>>)
      %mul3A_408 = arith.constant 8064 : i32
      %mul3A_409 = arith.muli %add3A_392, %mul3A_408 : i32
      %add3A_410 = arith.addi %mul3A_34, %mul3A_409 : i32
      %multiple_of3A_411 = tpu.assume_multiple %add3A_410, 128 : i32
      %dma_start3A_412 = arith.constant 1 : i32
      %dma_start3A_413 = arith.constant 0 : i32
      %dma_start3A_414 = arith.constant 0 : i32
      %dma_start3A_415 = tpu.memref_slice %arg4[%dma_start3A_412, %dma_start3A_413, %dma_start3A_414] : memref<2x8x8064xf32, #tpu.memory_space<vmem>> -> memref<1x8x8064xf32, #tpu.memory_space<vmem>>
      %dma_start3A_416 = tpu.memref_squeeze %dma_start3A_415 : memref<1x8x8064xf32, #tpu.memory_space<vmem>> -> memref<8x8064xf32, #tpu.memory_space<vmem>>
      %dma_start3A_417 = tpu.memref_slice %arg3[%multiple_of3A, %multiple_of3A_411] : memref<64x1000000xf32, #tpu.memory_space<hbm>> -> memref<8x8064xf32, #tpu.memory_space<hbm>>
      %dma_start3A_418 = tpu.memref_slice %arg3[%multiple_of3A, %multiple_of3A_411] : memref<64x1000000xf32, #tpu.memory_space<hbm>> -> memref<8x8064xf32, #tpu.memory_space<hbm>>
      %dma_start3A_419 = arith.constant 0 : i32
      %dma_start3A_420 = arith.constant 0 : i32
      %dma_start3A_421 = tpu.memref_slice %arg4[%dma_start3A_412, %dma_start3A_419, %dma_start3A_420] : memref<2x8x8064xf32, #tpu.memory_space<vmem>> -> memref<1x8x8064xf32, #tpu.memory_space<vmem>>
      %dma_start3A_422 = tpu.memref_squeeze %dma_start3A_421 : memref<1x8x8064xf32, #tpu.memory_space<vmem>> -> memref<8x8064xf32, #tpu.memory_space<vmem>>
      tpu.enqueue_dma source(%dma_start3A_422 : memref<8x8064xf32, #tpu.memory_space<vmem>>) target(%dma_start3A_418 : memref<8x8064xf32, #tpu.memory_space<hbm>>) target_semaphore(%arg9 : memref<!tpu.dma_semaphore, #tpu.memory_space<semaphore_mem>>)
      %sub3A_423 = arith.constant 1 : i32
      %sub3A_424 = arith.subi %add3A_392, %sub3A_423 : i32
      %mul3A_425 = arith.constant 8064 : i32
      %mul3A_426 = arith.muli %sub3A_424, %mul3A_425 : i32
      %add3A_427 = arith.addi %mul3A_34, %mul3A_426 : i32
      %multiple_of3A_428 = tpu.assume_multiple %add3A_427, 128 : i32
      %dma_wait3A_429 = arith.constant 0 : i32
      %dma_wait3A_430 = arith.constant 0 : i32
      %dma_wait3A_431 = arith.constant 0 : i32
      %dma_wait3A_432 = tpu.memref_slice %arg4[%dma_wait3A_429, %dma_wait3A_430, %dma_wait3A_431] : memref<2x8x8064xf32, #tpu.memory_space<vmem>> -> memref<1x8x8064xf32, #tpu.memory_space<vmem>>
      %dma_wait3A_433 = tpu.memref_squeeze %dma_wait3A_432 : memref<1x8x8064xf32, #tpu.memory_space<vmem>> -> memref<8x8064xf32, #tpu.memory_space<vmem>>
      %dma_wait3A_434 = tpu.memref_slice %arg3[%multiple_of3A, %multiple_of3A_428] : memref<64x1000000xf32, #tpu.memory_space<hbm>> -> memref<8x8064xf32, #tpu.memory_space<hbm>>
      %dma_wait3A_435 = tpu.memref_slice %arg3[%multiple_of3A, %multiple_of3A_428] : memref<64x1000000xf32, #tpu.memory_space<hbm>> -> memref<8x8064xf32, #tpu.memory_space<hbm>>
      %dma_wait3A_436 = arith.constant 0 : i32
      %dma_wait3A_437 = arith.constant 0 : i32
      %dma_wait3A_438 = tpu.memref_slice %arg4[%dma_wait3A_429, %dma_wait3A_436, %dma_wait3A_437] : memref<2x8x8064xf32, #tpu.memory_space<vmem>> -> memref<1x8x8064xf32, #tpu.memory_space<vmem>>
      %dma_wait3A_439 = tpu.memref_squeeze %dma_wait3A_438 : memref<1x8x8064xf32, #tpu.memory_space<vmem>> -> memref<8x8064xf32, #tpu.memory_space<vmem>>
      tpu.wait_dma2 semaphore(%arg8 : memref<!tpu.dma_semaphore, #tpu.memory_space<semaphore_mem>>) src(%dma_wait3A_439 : memref<8x8064xf32, #tpu.memory_space<vmem>>) dst(%dma_wait3A_435 : memref<8x8064xf32, #tpu.memory_space<hbm>>)
      %add3A_440 = arith.constant 1 : i32
      %add3A_441 = arith.addi %add3A_392, %add3A_440 : i32
      %mul3A_442 = arith.constant 8064 : i32
      %mul3A_443 = arith.muli %add3A_441, %mul3A_442 : i32
      %add3A_444 = arith.addi %mul3A_34, %mul3A_443 : i32
      %multiple_of3A_445 = tpu.assume_multiple %add3A_444, 128 : i32
      %dma_start3A_446 = arith.constant 0 : i32
      %dma_start3A_447 = arith.constant 0 : i32
      %dma_start3A_448 = arith.constant 0 : i32
      %dma_start3A_449 = tpu.memref_slice %arg4[%dma_start3A_446, %dma_start3A_447, %dma_start3A_448] : memref<2x8x8064xf32, #tpu.memory_space<vmem>> -> memref<1x8x8064xf32, #tpu.memory_space<vmem>>
      %dma_start3A_450 = tpu.memref_squeeze %dma_start3A_449 : memref<1x8x8064xf32, #tpu.memory_space<vmem>> -> memref<8x8064xf32, #tpu.memory_space<vmem>>
      %dma_start3A_451 = tpu.memref_slice %arg2[%multiple_of3A, %multiple_of3A_445] : memref<64x1000000xf32, #tpu.memory_space<hbm>> -> memref<8x8064xf32, #tpu.memory_space<hbm>>
      %dma_start3A_452 = arith.constant 0 : i32
      %dma_start3A_453 = arith.constant 0 : i32
      %dma_start3A_454 = tpu.memref_slice %arg4[%dma_start3A_446, %dma_start3A_452, %dma_start3A_453] : memref<2x8x8064xf32, #tpu.memory_space<vmem>> -> memref<1x8x8064xf32, #tpu.memory_space<vmem>>
      %dma_start3A_455 = tpu.memref_squeeze %dma_start3A_454 : memref<1x8x8064xf32, #tpu.memory_space<vmem>> -> memref<8x8064xf32, #tpu.memory_space<vmem>>
      %dma_start3A_456 = tpu.memref_slice %arg2[%multiple_of3A, %multiple_of3A_445] : memref<64x1000000xf32, #tpu.memory_space<hbm>> -> memref<8x8064xf32, #tpu.memory_space<hbm>>
      tpu.enqueue_dma source(%dma_start3A_456 : memref<8x8064xf32, #tpu.memory_space<hbm>>) target(%dma_start3A_455 : memref<8x8064xf32, #tpu.memory_space<vmem>>) target_semaphore(%arg6 : memref<!tpu.dma_semaphore, #tpu.memory_space<semaphore_mem>>)
    }
    %scan3A_148 = arith.constant 13 : i32
    %add3A_149 = arith.constant 225792 : i32
    %add3A_150 = arith.addi %mul3A_34, %add3A_149 : i32
    %multiple_of3A_151 = tpu.assume_multiple %add3A_150, 128 : i32
    %dma_wait3A_152 = arith.constant 0 : i32
    %dma_wait3A_153 = arith.constant 0 : i32
    %dma_wait3A_154 = arith.constant 0 : i32
    %dma_wait3A_155 = tpu.memref_slice %arg4[%dma_wait3A_152, %dma_wait3A_153, %dma_wait3A_154] : memref<2x8x8064xf32, #tpu.memory_space<vmem>> -> memref<1x8x8064xf32, #tpu.memory_space<vmem>>
    %dma_wait3A_156 = tpu.memref_squeeze %dma_wait3A_155 : memref<1x8x8064xf32, #tpu.memory_space<vmem>> -> memref<8x8064xf32, #tpu.memory_space<vmem>>
    %dma_wait3A_157 = tpu.memref_slice %arg2[%multiple_of3A, %multiple_of3A_151] : memref<64x1000000xf32, #tpu.memory_space<hbm>> -> memref<8x8064xf32, #tpu.memory_space<hbm>>
    %dma_wait3A_158 = arith.constant 0 : i32
    %dma_wait3A_159 = arith.constant 0 : i32
    %dma_wait3A_160 = tpu.memref_slice %arg4[%dma_wait3A_152, %dma_wait3A_158, %dma_wait3A_159] : memref<2x8x8064xf32, #tpu.memory_space<vmem>> -> memref<1x8x8064xf32, #tpu.memory_space<vmem>>
    %dma_wait3A_161 = tpu.memref_squeeze %dma_wait3A_160 : memref<1x8x8064xf32, #tpu.memory_space<vmem>> -> memref<8x8064xf32, #tpu.memory_space<vmem>>
    %dma_wait3A_162 = tpu.memref_slice %arg2[%multiple_of3A, %multiple_of3A_151] : memref<64x1000000xf32, #tpu.memory_space<hbm>> -> memref<8x8064xf32, #tpu.memory_space<hbm>>
    tpu.wait_dma2 semaphore(%arg6 : memref<!tpu.dma_semaphore, #tpu.memory_space<semaphore_mem>>) src(%dma_wait3A_162 : memref<8x8064xf32, #tpu.memory_space<hbm>>) dst(%dma_wait3A_161 : memref<8x8064xf32, #tpu.memory_space<vmem>>)
    %add3A_163 = arith.constant 225792 : i32
    %add3A_164 = arith.addi %mul3A_34, %add3A_163 : i32
    %multiple_of3A_165 = tpu.assume_multiple %add3A_164, 128 : i32
    %dma_start3A_166 = arith.constant 0 : i32
    %dma_start3A_167 = arith.constant 0 : i32
    %dma_start3A_168 = arith.constant 0 : i32
    %dma_start3A_169 = tpu.memref_slice %arg4[%dma_start3A_166, %dma_start3A_167, %dma_start3A_168] : memref<2x8x8064xf32, #tpu.memory_space<vmem>> -> memref<1x8x8064xf32, #tpu.memory_space<vmem>>
    %dma_start3A_170 = tpu.memref_squeeze %dma_start3A_169 : memref<1x8x8064xf32, #tpu.memory_space<vmem>> -> memref<8x8064xf32, #tpu.memory_space<vmem>>
    %dma_start3A_171 = tpu.memref_slice %arg3[%multiple_of3A, %multiple_of3A_165] : memref<64x1000000xf32, #tpu.memory_space<hbm>> -> memref<8x8064xf32, #tpu.memory_space<hbm>>
    %dma_start3A_172 = tpu.memref_slice %arg3[%multiple_of3A, %multiple_of3A_165] : memref<64x1000000xf32, #tpu.memory_space<hbm>> -> memref<8x8064xf32, #tpu.memory_space<hbm>>
    %dma_start3A_173 = arith.constant 0 : i32
    %dma_start3A_174 = arith.constant 0 : i32
    %dma_start3A_175 = tpu.memref_slice %arg4[%dma_start3A_166, %dma_start3A_173, %dma_start3A_174] : memref<2x8x8064xf32, #tpu.memory_space<vmem>> -> memref<1x8x8064xf32, #tpu.memory_space<vmem>>
    %dma_start3A_176 = tpu.memref_squeeze %dma_start3A_175 : memref<1x8x8064xf32, #tpu.memory_space<vmem>> -> memref<8x8064xf32, #tpu.memory_space<vmem>>
    tpu.enqueue_dma source(%dma_start3A_176 : memref<8x8064xf32, #tpu.memory_space<vmem>>) target(%dma_start3A_172 : memref<8x8064xf32, #tpu.memory_space<hbm>>) target_semaphore(%arg8 : memref<!tpu.dma_semaphore, #tpu.memory_space<semaphore_mem>>)
    %add3A_177 = arith.constant 217728 : i32
    %add3A_178 = arith.addi %mul3A_34, %add3A_177 : i32
    %multiple_of3A_179 = tpu.assume_multiple %add3A_178, 128 : i32
    %dma_wait3A_180 = arith.constant 1 : i32
    %dma_wait3A_181 = arith.constant 0 : i32
    %dma_wait3A_182 = arith.constant 0 : i32
    %dma_wait3A_183 = tpu.memref_slice %arg4[%dma_wait3A_180, %dma_wait3A_181, %dma_wait3A_182] : memref<2x8x8064xf32, #tpu.memory_space<vmem>> -> memref<1x8x8064xf32, #tpu.memory_space<vmem>>
    %dma_wait3A_184 = tpu.memref_squeeze %dma_wait3A_183 : memref<1x8x8064xf32, #tpu.memory_space<vmem>> -> memref<8x8064xf32, #tpu.memory_space<vmem>>
    %dma_wait3A_185 = tpu.memref_slice %arg3[%multiple_of3A, %multiple_of3A_179] : memref<64x1000000xf32, #tpu.memory_space<hbm>> -> memref<8x8064xf32, #tpu.memory_space<hbm>>
    %dma_wait3A_186 = tpu.memref_slice %arg3[%multiple_of3A, %multiple_of3A_179] : memref<64x1000000xf32, #tpu.memory_space<hbm>> -> memref<8x8064xf32, #tpu.memory_space<hbm>>
    %dma_wait3A_187 = arith.constant 0 : i32
    %dma_wait3A_188 = arith.constant 0 : i32
    %dma_wait3A_189 = tpu.memref_slice %arg4[%dma_wait3A_180, %dma_wait3A_187, %dma_wait3A_188] : memref<2x8x8064xf32, #tpu.memory_space<vmem>> -> memref<1x8x8064xf32, #tpu.memory_space<vmem>>
    %dma_wait3A_190 = tpu.memref_squeeze %dma_wait3A_189 : memref<1x8x8064xf32, #tpu.memory_space<vmem>> -> memref<8x8064xf32, #tpu.memory_space<vmem>>
    tpu.wait_dma2 semaphore(%arg9 : memref<!tpu.dma_semaphore, #tpu.memory_space<semaphore_mem>>) src(%dma_wait3A_190 : memref<8x8064xf32, #tpu.memory_space<vmem>>) dst(%dma_wait3A_186 : memref<8x8064xf32, #tpu.memory_space<hbm>>)
    %add3A_191 = arith.constant 233856 : i32
    %add3A_192 = arith.addi %mul3A_34, %add3A_191 : i32
    %multiple_of3A_193 = tpu.assume_multiple %add3A_192, 128 : i32
    %dma_start3A_194 = arith.constant 1 : i32
    %dma_start3A_195 = arith.constant 0 : i32
    %dma_start3A_196 = arith.constant 0 : i32
    %dma_start3A_197 = tpu.memref_slice %arg4[%dma_start3A_194, %dma_start3A_195, %dma_start3A_196] : memref<2x8x8064xf32, #tpu.memory_space<vmem>> -> memref<1x8x8064xf32, #tpu.memory_space<vmem>>
    %dma_start3A_198 = tpu.memref_squeeze %dma_start3A_197 : memref<1x8x8064xf32, #tpu.memory_space<vmem>> -> memref<8x8064xf32, #tpu.memory_space<vmem>>
    %dma_start3A_199 = tpu.memref_slice %arg2[%multiple_of3A, %multiple_of3A_193] : memref<64x1000000xf32, #tpu.memory_space<hbm>> -> memref<8x8064xf32, #tpu.memory_space<hbm>>
    %dma_start3A_200 = arith.constant 0 : i32
    %dma_start3A_201 = arith.constant 0 : i32
    %dma_start3A_202 = tpu.memref_slice %arg4[%dma_start3A_194, %dma_start3A_200, %dma_start3A_201] : memref<2x8x8064xf32, #tpu.memory_space<vmem>> -> memref<1x8x8064xf32, #tpu.memory_space<vmem>>
    %dma_start3A_203 = tpu.memref_squeeze %dma_start3A_202 : memref<1x8x8064xf32, #tpu.memory_space<vmem>> -> memref<8x8064xf32, #tpu.memory_space<vmem>>
    %dma_start3A_204 = tpu.memref_slice %arg2[%multiple_of3A, %multiple_of3A_193] : memref<64x1000000xf32, #tpu.memory_space<hbm>> -> memref<8x8064xf32, #tpu.memory_space<hbm>>
    tpu.enqueue_dma source(%dma_start3A_204 : memref<8x8064xf32, #tpu.memory_space<hbm>>) target(%dma_start3A_203 : memref<8x8064xf32, #tpu.memory_space<vmem>>) target_semaphore(%arg7 : memref<!tpu.dma_semaphore, #tpu.memory_space<semaphore_mem>>)
    %add3A_205 = arith.constant 233856 : i32
    %add3A_206 = arith.addi %mul3A_34, %add3A_205 : i32
    %multiple_of3A_207 = tpu.assume_multiple %add3A_206, 128 : i32
    %dma_wait3A_208 = arith.constant 1 : i32
    %dma_wait3A_209 = arith.constant 0 : i32
    %dma_wait3A_210 = arith.constant 0 : i32
    %dma_wait3A_211 = tpu.memref_slice %arg4[%dma_wait3A_208, %dma_wait3A_209, %dma_wait3A_210] : memref<2x8x8064xf32, #tpu.memory_space<vmem>> -> memref<1x8x8064xf32, #tpu.memory_space<vmem>>
    %dma_wait3A_212 = tpu.memref_squeeze %dma_wait3A_211 : memref<1x8x8064xf32, #tpu.memory_space<vmem>> -> memref<8x8064xf32, #tpu.memory_space<vmem>>
    %dma_wait3A_213 = tpu.memref_slice %arg2[%multiple_of3A, %multiple_of3A_207] : memref<64x1000000xf32, #tpu.memory_space<hbm>> -> memref<8x8064xf32, #tpu.memory_space<hbm>>
    %dma_wait3A_214 = arith.constant 0 : i32
    %dma_wait3A_215 = arith.constant 0 : i32
    %dma_wait3A_216 = tpu.memref_slice %arg4[%dma_wait3A_208, %dma_wait3A_214, %dma_wait3A_215] : memref<2x8x8064xf32, #tpu.memory_space<vmem>> -> memref<1x8x8064xf32, #tpu.memory_space<vmem>>
    %dma_wait3A_217 = tpu.memref_squeeze %dma_wait3A_216 : memref<1x8x8064xf32, #tpu.memory_space<vmem>> -> memref<8x8064xf32, #tpu.memory_space<vmem>>
    %dma_wait3A_218 = tpu.memref_slice %arg2[%multiple_of3A, %multiple_of3A_207] : memref<64x1000000xf32, #tpu.memory_space<hbm>> -> memref<8x8064xf32, #tpu.memory_space<hbm>>
    tpu.wait_dma2 semaphore(%arg7 : memref<!tpu.dma_semaphore, #tpu.memory_space<semaphore_mem>>) src(%dma_wait3A_218 : memref<8x8064xf32, #tpu.memory_space<hbm>>) dst(%dma_wait3A_217 : memref<8x8064xf32, #tpu.memory_space<vmem>>)
    %add3A_219 = arith.constant 233856 : i32
    %add3A_220 = arith.addi %mul3A_34, %add3A_219 : i32
    %multiple_of3A_221 = tpu.assume_multiple %add3A_220, 128 : i32
    %dma_start3A_222 = arith.constant 1 : i32
    %dma_start3A_223 = arith.constant 0 : i32
    %dma_start3A_224 = arith.constant 0 : i32
    %dma_start3A_225 = tpu.memref_slice %arg4[%dma_start3A_222, %dma_start3A_223, %dma_start3A_224] : memref<2x8x8064xf32, #tpu.memory_space<vmem>> -> memref<1x8x8064xf32, #tpu.memory_space<vmem>>
    %dma_start3A_226 = tpu.memref_squeeze %dma_start3A_225 : memref<1x8x8064xf32, #tpu.memory_space<vmem>> -> memref<8x8064xf32, #tpu.memory_space<vmem>>
    %dma_start3A_227 = tpu.memref_slice %arg3[%multiple_of3A, %multiple_of3A_221] : memref<64x1000000xf32, #tpu.memory_space<hbm>> -> memref<8x8064xf32, #tpu.memory_space<hbm>>
    %dma_start3A_228 = tpu.memref_slice %arg3[%multiple_of3A, %multiple_of3A_221] : memref<64x1000000xf32, #tpu.memory_space<hbm>> -> memref<8x8064xf32, #tpu.memory_space<hbm>>
    %dma_start3A_229 = arith.constant 0 : i32
    %dma_start3A_230 = arith.constant 0 : i32
    %dma_start3A_231 = tpu.memref_slice %arg4[%dma_start3A_222, %dma_start3A_229, %dma_start3A_230] : memref<2x8x8064xf32, #tpu.memory_space<vmem>> -> memref<1x8x8064xf32, #tpu.memory_space<vmem>>
    %dma_start3A_232 = tpu.memref_squeeze %dma_start3A_231 : memref<1x8x8064xf32, #tpu.memory_space<vmem>> -> memref<8x8064xf32, #tpu.memory_space<vmem>>
    tpu.enqueue_dma source(%dma_start3A_232 : memref<8x8064xf32, #tpu.memory_space<vmem>>) target(%dma_start3A_228 : memref<8x8064xf32, #tpu.memory_space<hbm>>) target_semaphore(%arg9 : memref<!tpu.dma_semaphore, #tpu.memory_space<semaphore_mem>>)
    %add3A_233 = arith.constant 225792 : i32
    %add3A_234 = arith.addi %mul3A_34, %add3A_233 : i32
    %multiple_of3A_235 = tpu.assume_multiple %add3A_234, 128 : i32
    %dma_wait3A_236 = arith.constant 0 : i32
    %dma_wait3A_237 = arith.constant 0 : i32
    %dma_wait3A_238 = arith.constant 0 : i32
    %dma_wait3A_239 = tpu.memref_slice %arg4[%dma_wait3A_236, %dma_wait3A_237, %dma_wait3A_238] : memref<2x8x8064xf32, #tpu.memory_space<vmem>> -> memref<1x8x8064xf32, #tpu.memory_space<vmem>>
    %dma_wait3A_240 = tpu.memref_squeeze %dma_wait3A_239 : memref<1x8x8064xf32, #tpu.memory_space<vmem>> -> memref<8x8064xf32, #tpu.memory_space<vmem>>
    %dma_wait3A_241 = tpu.memref_slice %arg3[%multiple_of3A, %multiple_of3A_235] : memref<64x1000000xf32, #tpu.memory_space<hbm>> -> memref<8x8064xf32, #tpu.memory_space<hbm>>
    %dma_wait3A_242 = tpu.memref_slice %arg3[%multiple_of3A, %multiple_of3A_235] : memref<64x1000000xf32, #tpu.memory_space<hbm>> -> memref<8x8064xf32, #tpu.memory_space<hbm>>
    %dma_wait3A_243 = arith.constant 0 : i32
    %dma_wait3A_244 = arith.constant 0 : i32
    %dma_wait3A_245 = tpu.memref_slice %arg4[%dma_wait3A_236, %dma_wait3A_243, %dma_wait3A_244] : memref<2x8x8064xf32, #tpu.memory_space<vmem>> -> memref<1x8x8064xf32, #tpu.memory_space<vmem>>
    %dma_wait3A_246 = tpu.memref_squeeze %dma_wait3A_245 : memref<1x8x8064xf32, #tpu.memory_space<vmem>> -> memref<8x8064xf32, #tpu.memory_space<vmem>>
    tpu.wait_dma2 semaphore(%arg8 : memref<!tpu.dma_semaphore, #tpu.memory_space<semaphore_mem>>) src(%dma_wait3A_246 : memref<8x8064xf32, #tpu.memory_space<vmem>>) dst(%dma_wait3A_242 : memref<8x8064xf32, #tpu.memory_space<hbm>>)
    %add3A_247 = arith.constant 241920 : i32
    %add3A_248 = arith.addi %mul3A_34, %add3A_247 : i32
    %multiple_of3A_249 = tpu.assume_multiple %add3A_248, 128 : i32
    %dma_start3A_250 = arith.constant 0 : i32
    %dma_start3A_251 = arith.constant 0 : i32
    %dma_start3A_252 = arith.constant 0 : i32
    %dma_start3A_253 = tpu.memref_slice %arg4[%dma_start3A_250, %dma_start3A_251, %dma_start3A_252] : memref<2x8x8064xf32, #tpu.memory_space<vmem>> -> memref<1x8x8064xf32, #tpu.memory_space<vmem>>
    %dma_start3A_254 = tpu.memref_squeeze %dma_start3A_253 : memref<1x8x8064xf32, #tpu.memory_space<vmem>> -> memref<8x8064xf32, #tpu.memory_space<vmem>>
    %dma_start3A_255 = tpu.memref_slice %arg2[%multiple_of3A, %multiple_of3A_249] : memref<64x1000000xf32, #tpu.memory_space<hbm>> -> memref<8x8064xf32, #tpu.memory_space<hbm>>
    %dma_start3A_256 = arith.constant 0 : i32
    %dma_start3A_257 = arith.constant 0 : i32
    %dma_start3A_258 = tpu.memref_slice %arg4[%dma_start3A_250, %dma_start3A_256, %dma_start3A_257] : memref<2x8x8064xf32, #tpu.memory_space<vmem>> -> memref<1x8x8064xf32, #tpu.memory_space<vmem>>
    %dma_start3A_259 = tpu.memref_squeeze %dma_start3A_258 : memref<1x8x8064xf32, #tpu.memory_space<vmem>> -> memref<8x8064xf32, #tpu.memory_space<vmem>>
    %dma_start3A_260 = tpu.memref_slice %arg2[%multiple_of3A, %multiple_of3A_249] : memref<64x1000000xf32, #tpu.memory_space<hbm>> -> memref<8x8064xf32, #tpu.memory_space<hbm>>
    tpu.enqueue_dma source(%dma_start3A_260 : memref<8x8064xf32, #tpu.memory_space<hbm>>) target(%dma_start3A_259 : memref<8x8064xf32, #tpu.memory_space<vmem>>) target_semaphore(%arg6 : memref<!tpu.dma_semaphore, #tpu.memory_space<semaphore_mem>>)
    %add3A_261 = arith.constant 241920 : i32
    %add3A_262 = arith.addi %mul3A_34, %add3A_261 : i32
    %multiple_of3A_263 = tpu.assume_multiple %add3A_262, 128 : i32
    %dma_wait3A_264 = arith.constant 0 : i32
    %dma_wait3A_265 = arith.constant 0 : i32
    %dma_wait3A_266 = arith.constant 0 : i32
    %dma_wait3A_267 = tpu.memref_slice %arg4[%dma_wait3A_264, %dma_wait3A_265, %dma_wait3A_266] : memref<2x8x8064xf32, #tpu.memory_space<vmem>> -> memref<1x8x8064xf32, #tpu.memory_space<vmem>>
    %dma_wait3A_268 = tpu.memref_squeeze %dma_wait3A_267 : memref<1x8x8064xf32, #tpu.memory_space<vmem>> -> memref<8x8064xf32, #tpu.memory_space<vmem>>
    %dma_wait3A_269 = tpu.memref_slice %arg2[%multiple_of3A, %multiple_of3A_263] : memref<64x1000000xf32, #tpu.memory_space<hbm>> -> memref<8x8064xf32, #tpu.memory_space<hbm>>
    %dma_wait3A_270 = arith.constant 0 : i32
    %dma_wait3A_271 = arith.constant 0 : i32
    %dma_wait3A_272 = tpu.memref_slice %arg4[%dma_wait3A_264, %dma_wait3A_270, %dma_wait3A_271] : memref<2x8x8064xf32, #tpu.memory_space<vmem>> -> memref<1x8x8064xf32, #tpu.memory_space<vmem>>
    %dma_wait3A_273 = tpu.memref_squeeze %dma_wait3A_272 : memref<1x8x8064xf32, #tpu.memory_space<vmem>> -> memref<8x8064xf32, #tpu.memory_space<vmem>>
    %dma_wait3A_274 = tpu.memref_slice %arg2[%multiple_of3A, %multiple_of3A_263] : memref<64x1000000xf32, #tpu.memory_space<hbm>> -> memref<8x8064xf32, #tpu.memory_space<hbm>>
    tpu.wait_dma2 semaphore(%arg6 : memref<!tpu.dma_semaphore, #tpu.memory_space<semaphore_mem>>) src(%dma_wait3A_274 : memref<8x8064xf32, #tpu.memory_space<hbm>>) dst(%dma_wait3A_273 : memref<8x8064xf32, #tpu.memory_space<vmem>>)
    %add3A_275 = arith.constant 241920 : i32
    %add3A_276 = arith.addi %mul3A_34, %add3A_275 : i32
    %multiple_of3A_277 = tpu.assume_multiple %add3A_276, 128 : i32
    %dma_start3A_278 = arith.constant 0 : i32
    %dma_start3A_279 = arith.constant 0 : i32
    %dma_start3A_280 = arith.constant 0 : i32
    %dma_start3A_281 = tpu.memref_slice %arg4[%dma_start3A_278, %dma_start3A_279, %dma_start3A_280] : memref<2x8x8064xf32, #tpu.memory_space<vmem>> -> memref<1x8x8064xf32, #tpu.memory_space<vmem>>
    %dma_start3A_282 = tpu.memref_squeeze %dma_start3A_281 : memref<1x8x8064xf32, #tpu.memory_space<vmem>> -> memref<8x8064xf32, #tpu.memory_space<vmem>>
    %dma_start3A_283 = tpu.memref_slice %arg3[%multiple_of3A, %multiple_of3A_277] : memref<64x1000000xf32, #tpu.memory_space<hbm>> -> memref<8x8064xf32, #tpu.memory_space<hbm>>
    %dma_start3A_284 = tpu.memref_slice %arg3[%multiple_of3A, %multiple_of3A_277] : memref<64x1000000xf32, #tpu.memory_space<hbm>> -> memref<8x8064xf32, #tpu.memory_space<hbm>>
    %dma_start3A_285 = arith.constant 0 : i32
    %dma_start3A_286 = arith.constant 0 : i32
    %dma_start3A_287 = tpu.memref_slice %arg4[%dma_start3A_278, %dma_start3A_285, %dma_start3A_286] : memref<2x8x8064xf32, #tpu.memory_space<vmem>> -> memref<1x8x8064xf32, #tpu.memory_space<vmem>>
    %dma_start3A_288 = tpu.memref_squeeze %dma_start3A_287 : memref<1x8x8064xf32, #tpu.memory_space<vmem>> -> memref<8x8064xf32, #tpu.memory_space<vmem>>
    tpu.enqueue_dma source(%dma_start3A_288 : memref<8x8064xf32, #tpu.memory_space<vmem>>) target(%dma_start3A_284 : memref<8x8064xf32, #tpu.memory_space<hbm>>) target_semaphore(%arg8 : memref<!tpu.dma_semaphore, #tpu.memory_space<semaphore_mem>>)
    %add3A_289 = arith.constant 233856 : i32
    %add3A_290 = arith.addi %mul3A_34, %add3A_289 : i32
    %multiple_of3A_291 = tpu.assume_multiple %add3A_290, 128 : i32
    %dma_wait3A_292 = arith.constant 1 : i32
    %dma_wait3A_293 = arith.constant 0 : i32
    %dma_wait3A_294 = arith.constant 0 : i32
    %dma_wait3A_295 = tpu.memref_slice %arg4[%dma_wait3A_292, %dma_wait3A_293, %dma_wait3A_294] : memref<2x8x8064xf32, #tpu.memory_space<vmem>> -> memref<1x8x8064xf32, #tpu.memory_space<vmem>>
    %dma_wait3A_296 = tpu.memref_squeeze %dma_wait3A_295 : memref<1x8x8064xf32, #tpu.memory_space<vmem>> -> memref<8x8064xf32, #tpu.memory_space<vmem>>
    %dma_wait3A_297 = tpu.memref_slice %arg3[%multiple_of3A, %multiple_of3A_291] : memref<64x1000000xf32, #tpu.memory_space<hbm>> -> memref<8x8064xf32, #tpu.memory_space<hbm>>
    %dma_wait3A_298 = tpu.memref_slice %arg3[%multiple_of3A, %multiple_of3A_291] : memref<64x1000000xf32, #tpu.memory_space<hbm>> -> memref<8x8064xf32, #tpu.memory_space<hbm>>
    %dma_wait3A_299 = arith.constant 0 : i32
    %dma_wait3A_300 = arith.constant 0 : i32
    %dma_wait3A_301 = tpu.memref_slice %arg4[%dma_wait3A_292, %dma_wait3A_299, %dma_wait3A_300] : memref<2x8x8064xf32, #tpu.memory_space<vmem>> -> memref<1x8x8064xf32, #tpu.memory_space<vmem>>
    %dma_wait3A_302 = tpu.memref_squeeze %dma_wait3A_301 : memref<1x8x8064xf32, #tpu.memory_space<vmem>> -> memref<8x8064xf32, #tpu.memory_space<vmem>>
    tpu.wait_dma2 semaphore(%arg9 : memref<!tpu.dma_semaphore, #tpu.memory_space<semaphore_mem>>) src(%dma_wait3A_302 : memref<8x8064xf32, #tpu.memory_space<vmem>>) dst(%dma_wait3A_298 : memref<8x8064xf32, #tpu.memory_space<hbm>>)
    %add3A_303 = arith.constant 241920 : i32
    %add3A_304 = arith.addi %mul3A_34, %add3A_303 : i32
    %multiple_of3A_305 = tpu.assume_multiple %add3A_304, 128 : i32
    %dma_wait3A_306 = arith.constant 0 : i32
    %dma_wait3A_307 = arith.constant 0 : i32
    %dma_wait3A_308 = arith.constant 0 : i32
    %dma_wait3A_309 = tpu.memref_slice %arg4[%dma_wait3A_306, %dma_wait3A_307, %dma_wait3A_308] : memref<2x8x8064xf32, #tpu.memory_space<vmem>> -> memref<1x8x8064xf32, #tpu.memory_space<vmem>>
    %dma_wait3A_310 = tpu.memref_squeeze %dma_wait3A_309 : memref<1x8x8064xf32, #tpu.memory_space<vmem>> -> memref<8x8064xf32, #tpu.memory_space<vmem>>
    %dma_wait3A_311 = tpu.memref_slice %arg3[%multiple_of3A, %multiple_of3A_305] : memref<64x1000000xf32, #tpu.memory_space<hbm>> -> memref<8x8064xf32, #tpu.memory_space<hbm>>
    %dma_wait3A_312 = tpu.memref_slice %arg3[%multiple_of3A, %multiple_of3A_305] : memref<64x1000000xf32, #tpu.memory_space<hbm>> -> memref<8x8064xf32, #tpu.memory_space<hbm>>
    %dma_wait3A_313 = arith.constant 0 : i32
    %dma_wait3A_314 = arith.constant 0 : i32
    %dma_wait3A_315 = tpu.memref_slice %arg4[%dma_wait3A_306, %dma_wait3A_313, %dma_wait3A_314] : memref<2x8x8064xf32, #tpu.memory_space<vmem>> -> memref<1x8x8064xf32, #tpu.memory_space<vmem>>
    %dma_wait3A_316 = tpu.memref_squeeze %dma_wait3A_315 : memref<1x8x8064xf32, #tpu.memory_space<vmem>> -> memref<8x8064xf32, #tpu.memory_space<vmem>>
    tpu.wait_dma2 semaphore(%arg8 : memref<!tpu.dma_semaphore, #tpu.memory_space<semaphore_mem>>) src(%dma_wait3A_316 : memref<8x8064xf32, #tpu.memory_space<vmem>>) dst(%dma_wait3A_312 : memref<8x8064xf32, #tpu.memory_space<hbm>>)
    %eq3A_317 = arith.constant 3 : i32
    %eq3A_318 = arith.cmpi eq, %select_n3A_30, %eq3A_317 : i32
    %convert_element_type3A = arith.extui %eq3A_318 : i1 to i32
    %cond3A = arith.constant 0 : i32
    %cond3A_319 = arith.cmpi ne, %convert_element_type3A, %cond3A : i32
    scf.if %cond3A_319 {
      %dma_start3A_320 = arith.constant 999936 : i32
      %dma_start3A_321 = tpu.memref_slice %arg2[%multiple_of3A, %dma_start3A_320] : memref<64x1000000xf32, #tpu.memory_space<hbm>> -> memref<8x64xf32, #tpu.memory_space<hbm>>
      %dma_start3A_322 = arith.constant 999936 : i32
      %dma_start3A_323 = tpu.memref_slice %arg2[%multiple_of3A, %dma_start3A_322] : memref<64x1000000xf32, #tpu.memory_space<hbm>> -> memref<8x64xf32, #tpu.memory_space<hbm>>
      tpu.enqueue_dma source(%dma_start3A_323 : memref<8x64xf32, #tpu.memory_space<hbm>>) target(%arg5 : memref<8x64xf32, #tpu.memory_space<vmem>>) target_semaphore(%arg6 : memref<!tpu.dma_semaphore, #tpu.memory_space<semaphore_mem>>)
      %dma_wait3A_324 = arith.constant 999936 : i32
      %dma_wait3A_325 = tpu.memref_slice %arg2[%multiple_of3A, %dma_wait3A_324] : memref<64x1000000xf32, #tpu.memory_space<hbm>> -> memref<8x64xf32, #tpu.memory_space<hbm>>
      %dma_wait3A_326 = arith.constant 999936 : i32
      %dma_wait3A_327 = tpu.memref_slice %arg2[%multiple_of3A, %dma_wait3A_326] : memref<64x1000000xf32, #tpu.memory_space<hbm>> -> memref<8x64xf32, #tpu.memory_space<hbm>>
      tpu.wait_dma2 semaphore(%arg6 : memref<!tpu.dma_semaphore, #tpu.memory_space<semaphore_mem>>) src(%dma_wait3A_327 : memref<8x64xf32, #tpu.memory_space<hbm>>) dst(%arg5 : memref<8x64xf32, #tpu.memory_space<vmem>>)
      %dma_start3A_328 = arith.constant 999936 : i32
      %dma_start3A_329 = tpu.memref_slice %arg3[%multiple_of3A, %dma_start3A_328] : memref<64x1000000xf32, #tpu.memory_space<hbm>> -> memref<8x64xf32, #tpu.memory_space<hbm>>
      %dma_start3A_330 = arith.constant 999936 : i32
      %dma_start3A_331 = tpu.memref_slice %arg3[%multiple_of3A, %dma_start3A_330] : memref<64x1000000xf32, #tpu.memory_space<hbm>> -> memref<8x64xf32, #tpu.memory_space<hbm>>
      tpu.enqueue_dma source(%arg5 : memref<8x64xf32, #tpu.memory_space<vmem>>) target(%dma_start3A_331 : memref<8x64xf32, #tpu.memory_space<hbm>>) target_semaphore(%arg8 : memref<!tpu.dma_semaphore, #tpu.memory_space<semaphore_mem>>)
      %dma_wait3A_332 = arith.constant 999936 : i32
      %dma_wait3A_333 = tpu.memref_slice %arg3[%multiple_of3A, %dma_wait3A_332] : memref<64x1000000xf32, #tpu.memory_space<hbm>> -> memref<8x64xf32, #tpu.memory_space<hbm>>
      %dma_wait3A_334 = arith.constant 999936 : i32
      %dma_wait3A_335 = tpu.memref_slice %arg3[%multiple_of3A, %dma_wait3A_334] : memref<64x1000000xf32, #tpu.memory_space<hbm>> -> memref<8x64xf32, #tpu.memory_space<hbm>>
      tpu.wait_dma2 semaphore(%arg8 : memref<!tpu.dma_semaphore, #tpu.memory_space<semaphore_mem>>) src(%arg5 : memref<8x64xf32, #tpu.memory_space<vmem>>) dst(%dma_wait3A_335 : memref<8x64xf32, #tpu.memory_space<hbm>>)
    } else {
    }
    return
  }
}

</mosaic_0001>

<sc_bundles>
// kernel: kernel.3.cloned.1.call-start
scs
__scs_entry_jumppad:
0x0: {  	(pc) =	sbr.rel $0x88, $3  }
0x1: {  	(tag) =	ssettag $0x0;
	lr =	simm.s32 $0x1  }
0x2: {  	[smem:$0x3FA0] =	sst lr;
	_ =	strace $0xD0000000  }
0x3: {  	_ = 	snop  }
0x4: {  	_ = 	snop  }
0x5: {  	_ = 	snop  }
0x6: {  	_ = 	snop  }
0x7: {  	_ = 	snop  }
__scs_overlays_trampoline_lowered:
0x8: {  	[smem:$0x3FAF] =	sst s0  }
0x9: {  	[smem:$0x3FB0] =	sst s1  }
0xa: {  	[smem:$0x3FB1] =	sst s2  }
0xb: {  	[smem:$0x3FB2] =	sst s3  }
0xc: {  	[smem:$0x3FB3] =	sst s4  }
0xd: {  	[smem:$0x3FB4] =	sst s5  }
0xe: {  	[smem:$0x3FB5] =	sst s6  }
0xf: {  	[smem:$0x3FB6] =	sst s7  }
0x10: {  	[smem:$0x3FB7] =	sst s8  }
0x11: {  	[smem:$0x3FB8] =	sst s9;
	s0 =	simm.s32 @!p0 $0x0  }
0x12: {  	s1 =	sld [smem:$0x3F9E];
	s0 =	simm.s32 @p0 $0x1  }
0x13: {  	[smem:$0x3FB9] =	sst s0;
	s0 =	simm.s32 @!p1 $0x0  }
0x14: {  	s2 =	sld [smem:$0x3F9D];
	s0 =	simm.s32 @p1 $0x1  }
0x15: {  	[smem:$0x3FBA] =	sst s0;
	s0 =	simm.s32 @!p2 $0x0  }
0x16: {  	s3 =	sld [smem:$0x3FDB];
	s0 =	simm.s32 @p2 $0x1  }
0x17: {  	s4 =	simm.s32 $0x1BF5;
	[smem:$0x3FBC] =	sst s0  }
0x18: {  	s0 =	sld [smem:$0x3F9F];
	_ =	swait.ge [sflag:s4], $0x0  }
0x19: {  	s7 =	sld [smem:$0x3FA0]  }
0x1a: {  	s8 =	sadd.s32 $0xFFFFE003, lr  }
0x1b: {  	s9 =	sadd.s32 $0xFFFFFEF7, lr;
	s5 =	simm.s32 $0xFFFFFFFF;
	p2 =	slt.u32 s8, $0xFFFFF086  }
0x1c: {  	p1 =	slt.u32 s9, $0xF7A;
	s5 =	simm.s32 @!p2 $0x0  }
0x1d: {  	s5 =	simm.s32 @p1 $0x1;
	p0 =	seq.s32 s7, s2  }
0x1e: {  	s7 =	smul.u32 @!p0 $0xF7A, s2;
	p2 =	seq.s32 @!p0 s5, $0x0  }
0x1f: {  	s9 =	smul.u32 $0xF7A, s1;
	s8 =	simm.s32 @!p0 $0x1BF5;
	p2 =	por !p2, p0  }
0x20: {  	[sflag:s8] =	ssyncset.s32 @!p0 $0xFFFFF086;
	s6 =	sadd.s32 @!p0 s3, s7;
	s7 =	simm.s32 @!p0 $0x108  }
0x21: {  	s3 =	sadd.s32 s3, s9;
	s6 =	sadd.s32 @!p0 $0x88, s6;
	s7 =	simm.s32 @p2 $0x1082  }
0x22: {  	[simem:s7], [sflag:s8] =	dma.local @!p0 [hbm:s6], $0xF7A  }
0x23: {  	s9 =	sor.u32 $0xD0000000, s2;
	s6 =	simm.s32 $0x108;
	_ =	swait.ge @!p0 [sflag:s8], $0x0  }
0x24: {  	s3 =	sadd.s32 $0x88, s3;
	s6 =	simm.s32 @!p1 $0x1082;
	[sflag:s4] =	ssyncset.s32 $0xFFFFF086  }
0x25: {  	[simem:s6], [sflag:s4] =	dma.local [hbm:s3], $0xF7A  }
0x26: {  	[smem:$0x3FA0] =	sst s1;
	(tag) =	ssettag s2;
	_ =	strace s9  }
0x27: {  	s1 =	sld [smem:$0x3FB0]  }
0x28: {  	s2 =	sld [smem:$0x3FB1]  }
0x29: {  	s4 =	sld [smem:$0x3FB3]  }
0x2a: {  	p0 =	seq.s32 s5, $0x0;
	s5 =	sld [smem:$0x3FB4]  }
0x2b: {  	s6 =	sld [smem:$0x3FB5]  }
0x2c: {  	s7 =	sld [smem:$0x3FB6]  }
0x2d: {  	s3 =	simm.s32 $0x108;
	s8 =	sld [smem:$0x3FB7]  }
0x2e: {  	s3 =	simm.s32 @!p0 $0x1082;
	s9 =	sld [smem:$0x3FB8]  }
0x2f: {  	lr =	sadd.s32 s0, s3;
	s0 =	sld [smem:$0x3FAF]  }
0x30: {  	s3 =	sld [smem:$0x3FB2]  }
0x31: {  	[smem:$0x3FBB] =	sst s10  }
0x32: {  	s10 =	sld [smem:$0x3FB9];
	_ =	sdelay $0x3  }
0x33: {  	p0 =	seq.s32 s10, $0x1;
	s10 =	sld [smem:$0x3FBB];
	_ =	sdelay $0x3  }
0x34: {  	[smem:$0x3FBB] =	sst s10  }
0x35: {  	s10 =	sld [smem:$0x3FBA];
	_ =	sdelay $0x3  }
0x36: {  	p1 =	seq.s32 s10, $0x1;
	s10 =	sld [smem:$0x3FBB];
	_ =	sdelay $0x3  }
0x37: {  	[smem:$0x3FBB] =	sst s10  }
0x38: {  	s10 =	sld [smem:$0x3FBC]  }
0x39: {  	_ = 	snop;
	(pc) =	sbr.ind lr, $3  }
0x3a: {  	_ = 	snop  }
0x3b: {  	_ = 	snop  }
0x3c: {  	p2 =	seq.s32 s10, $0x1;
	s10 =	sld [smem:$0x3FBB]  }
0x3d: {  	_ =	shalt  }
0x3e: {  	_ =	shalt  }
0x3f: {  	_ =	shalt  }
0x40: {  	_ =	shalt  }
0x41: {  	_ =	shalt  }
0x42: {  	_ =	shalt  }
0x43: {  	_ =	shalt  }
0x44: {  	_ =	shalt  }
0x45: {  	_ =	shalt  }
0x46: {  	_ =	shalt  }
0x47: {  	_ =	shalt  }
0x48: {  	_ =	shalt  }
0x49: {  	_ =	shalt  }
0x4a: {  	_ =	shalt  }
0x4b: {  	_ =	shalt  }
0x4c: {  	_ =	shalt  }
0x4d: {  	_ =	shalt  }
0x4e: {  	_ =	shalt  }
0x4f: {  	_ =	shalt  }
0x50: {  	_ =	shalt  }
0x51: {  	_ =	shalt  }
0x52: {  	_ =	shalt  }
0x53: {  	_ =	shalt  }
0x54: {  	_ =	shalt  }
0x55: {  	_ =	shalt  }
0x56: {  	_ =	shalt  }
0x57: {  	_ =	shalt  }
0x58: {  	_ =	shalt  }
0x59: {  	_ =	shalt  }
0x5a: {  	_ =	shalt  }
0x5b: {  	_ =	shalt  }
0x5c: {  	_ =	shalt  }
0x5d: {  	_ =	shalt  }
0x5e: {  	_ =	shalt  }
0x5f: {  	_ =	shalt  }
0x60: {  	_ =	shalt  }
0x61: {  	_ =	shalt  }
0x62: {  	_ =	shalt  }
0x63: {  	_ =	shalt  }
0x64: {  	_ =	shalt  }
0x65: {  	_ =	shalt  }
0x66: {  	_ =	shalt  }
0x67: {  	_ =	shalt  }
0x68: {  	_ =	shalt  }
0x69: {  	_ =	shalt  }
0x6a: {  	_ =	shalt  }
0x6b: {  	_ =	shalt  }
0x6c: {  	_ =	shalt  }
0x6d: {  	_ =	shalt  }
0x6e: {  	_ =	shalt  }
0x6f: {  	_ =	shalt  }
0x70: {  	_ =	shalt  }
0x71: {  	_ =	shalt  }
0x72: {  	_ =	shalt  }
0x73: {  	_ =	shalt  }
0x74: {  	_ =	shalt  }
0x75: {  	_ =	shalt  }
0x76: {  	_ =	shalt  }
0x77: {  	_ =	shalt  }
0x78: {  	_ =	shalt  }
0x79: {  	_ =	shalt  }
0x7a: {  	_ =	shalt  }
0x7b: {  	_ =	shalt  }
0x7c: {  	_ =	shalt  }
0x7d: {  	_ =	shalt  }
0x7e: {  	_ =	shalt  }
0x7f: {  	_ =	shalt  }
0x80: {  	_ =	shalt  }
0x81: {  	_ =	shalt  }
0x82: {  	_ =	shalt  }
0x83: {  	_ =	shalt  }
0x84: {  	_ =	shalt  }
0x85: {  	_ =	shalt  }
0x86: {  	_ =	shalt  }
0x87: {  	_ =	shalt  }
.Lfunc_end0:
.L_simem_size_0:
called_computation_lowered:
.L_overlay_start_0:
0x88: {  	s2 =	sld [smem:$0x3FD9]  }
0x89: {  	s3 =	sld [smem:$0x3FFE];
	_ =	sdelay $0x1  }
0x8a: {  	s1 =	srdreg.scid  }
0x8b: {  	s0 =	sand.u32 $0x1, s1  }
0x8c: {  	s18 =	sshll.u32 s0, $0xA;
	s2 =	sadd.s32 s3, s2  }
0x8d: {  	s2 =	sadd.s32 s2, s18  }
0x8e: {  	[smem:$0x3FC7] =	sst s2  }
0x8f: {  	_ = 	snop  }
0x90: {  	s2 =	sld [smem:$0x3FC9]  }
0x91: {  	s19 =	sld [smem:$0x3FD0];
	(tm) =	ssettm $0x1  }
0x92: {  	s4 =	sld [smem:$0x3FFB];
	_ =	sdelay $0x3  }
0x93: {  	_ =	strace s4  }
0x94: {  	s4 =	sld [smem:$0x3FFC];
	_ =	sdelay $0x3  }
0x95: {  	_ =	strace s4  }
0x96: {  	s4 =	sld [smem:$0x3FFD];
	_ =	sdelay $0x3  }
0x97: {  	_ =	strace s4  }
0x98: {  	_ =	strace $0x8FFFFFFF  }
0x99: {  	s20 =	sld [smem:$0x3FDB];
	_ =	sdelay $0x1  }
0x9a: {  	s5 =	simm.s32 $_scs_section_size  }
0x9b: {  	s6 =	simm.s32 $_size__tile_overlayer_lowered;
	s7 =	simm.s32 $_tile_overlayer_lowered  }
0x9c: {  	s23 =	simm.s32 $0x1BFF;
	s22 =	sshll.u32 s7, $0x1;
	s4 =	sadd.s32 s5, s20  }
0x9d: {  	s8 =	simm.s32 $0x0;
	s21 =	sshll.u32 s6, $0x1;
	s6 =	sadd.s32 s22, s4  }
0x9e: {  	[timem:s8], [sflag:s23] =	dma.local [hbm:s6], s21  }
0x9f: {  	_ =	swait.ge [sflag:s23], s21  }
0xa0: {  	s5 =	ssub.s32 $0x0, s21;
	[sflag:s23] =	ssyncset.done $0x0  }
0xa1: {  	[sflag:s23] =	ssyncadd.s32 s5;
	_ =	sdelay $0x1  }
0xa2: {  	s24 =	simm.s32 $0x1B8B  }
0xa3: {  	_ =	swait.ge [sflag:s24], $0x1  }
0xa4: {  	[sflag:s24] =	ssyncset.done $0x0  }
0xa5: {  	s25 =	simm.s32 $0x1B8E;
	[sflag:s24] =	ssyncadd.s32 $0xFFFFFFFF  }
0xa6: {  	s26 =	simm.s32 $execute0_lowered;
	[smem:$0x3FD2] =	sst s25  }
0xa7: {  	s5 =	sshll.u32 s26, $0x1;
	_ =	strace $0x80000046;
	[dreg:$0x1] =	wrdreg $0xFFFFFFFF  }
0xa8: {  	s28 =	simm.s32 $_size_execute0_lowered;
	s4 =	sadd.s32 s4, s5;
	[dreg:$0x0] =	wrdreg $0x0  }
0xa9: {  	s5 =	sshll.u32 s28, $0x1;
	[dreg:$0x2] =	wrdreg s4  }
0xaa: {  	[dreg:$0x3] =	wrdreg s5  }
0xab: {  	[dreg:$0x4] =	wrdreg $0xC0  }
0xac: {  	_ =	task [dreg:s8], $0x5FFFF  }
0xad: {  	[dreg:$0x1] =	wrdreg $0xFFFFFFFF  }
0xae: {  	[dreg:$0x0] =	wrdreg $0x60  }
0xaf: {  	[dreg:$0x2] =	wrdreg s2  }
0xb0: {  	[dreg:$0x3] =	wrdreg s19  }
0xb1: {  	[dreg:$0x4] =	wrdreg $0x9  }
0xb2: {  	_ =	task.clear_ibuf [dreg:s8], $0x5FFFF;
	_ =	strace $0x90000046  }
0xb3: {  	s29 =	simm.s32 $0x9;
	_ =	strace $0x80000048  }
0xb4: {  	_ =	swait.ge [sflag:s29], $0x1  }
0xb5: {  	[sflag:s29] =	ssyncadd.s32 $0xFFFFFFFF  }
0xb6: {  	_ =	strace $0x90000048  }
0xb7: {  	_ =	sfence  }
0xb8: {  	s30 =	sld [smem:$0x0];
	_ =	sdelay $0x2  }
0xb9: {  	s31 =	sshll.u32 s1, $0xD;
	s1 =	sshrl.u32 s1, $0x2  }
0xba: {  	s3 =	sand.u32 $0x4000, s31;
	s1 =	sadd.s32 s1, s30  }
0xbb: {  	s0 =	sor.u32 s3, s0;
	s1 =	sshll.u32 s1, $0x11  }
0xbc: {  	s0 =	sor.u32 s1, s0  }
0xbd: {  	s0 =	sadd.s32 $0x8F2B, s0  }
0xbe: {  	[sflag:s0] =	ssyncadd.remote.s32 $0x1  }
0xbf: {  	_ =	sfence.sel $0xFFFF  }
0xc0: {  	[dreg:$0x0] =	wrdreg $0xFFFFFFFF;
	(pc) =	sbr.abs _section_cstart, $3  }
0xc1: {  	[dreg:$0x1] =	wrdreg $0xFFFFFFFF  }
0xc2: {  	_ =	task.clear_ibuf [dreg:s8], $0x2FFFF;
	_ =	strace $0x9FFFFFFF  }
0xc3: {  	(tm) =	ssettm $0x7FFFFFFF  }
tec
execute0_lowered:
.L_overlay_start_1:
0x0: {  	(tag) =	ssettag $0x1  }
0x1: {  	s0 =	stileid.u32  }
0x2: {  	s1 =	srdreg.scid;
	s16 =	rddreg [dreg:$0x0]  }
0x3: {  	s17 =	rddreg [dreg:$0x1];
	s22 =	simm.s32 $0x4;
	s31 =	sshrl.u32 s0, $0x1  }
0x4: {  	s2 =	sshll.u32 s0, $0x1;
	s20 =	sand.u32 $0x1, s0;
	s8 =	smul.u32 $0x7A1400, s31  }
0x5: {  	s15 =	sand.u32 $0x1, s1;
	s1 =	rddreg [dreg:$0x2];
	s20 =	smul.u32 $0x7A100, s20  }
0x6: {  	s2 =	sand.u32 $0x2, s2;
	s4 =	ssub.s32 $0x2, s15;
	s21 =	smul.u32 $0x3D080, s15  }
0x7: {  	s23 =	sor.u32 s15, s2;
	s2 =	simm.s32 $0x0;
	s5 =	sshrl.u32 s4, $0x1  }
0x8: {  	s3 =	smul.u32 $0x1E8400, s23;
	[smem:$0x7FF] =	sst s2;
	s18 =	ssub.s32 s4, s5  }
0x9: {  	s19 =	sshrl.u32 s8, $0x3;
	p0 =	sne.s32 s23, $0x3;
	s23 =	simm.s32 $0x0  }
0xa: {  	_ =	strace $0x80000047;
	s14 =	sadd.s32 $0xF4200, s19;
	s3 =	sadd.s32 s8, s3  }
0xb: {  	s15 =	smax.u32 s18, $0x1;
	s18 =	simm.s32 $0x1;
	s9 =	sshrl.u32 s3, $0x3  }
0xc: {  	s13 =	sadd.s32 s16, s14;
	s14 =	sadd.s32 s17, s14;
	s6 =	sadd.s32 $0x1F80, s9  }
0xd: {  	s3 =	sadd.s32 s16, s9;
	s4 =	sadd.s32 s17, s9;
	s10 =	sadd.s32 $0x39180, s9  }
0xe: {  	s12 =	sadd.s32 $0x3B100, s9;
	s5 =	sadd.s32 s16, s6;
	s6 =	sadd.s32 s17, s6  }
0xf: {  	s7 =	sadd.s32 $0x3F00, s3;
	s8 =	sadd.s32 $0x37200, s4;
	s9 =	sadd.s32 s16, s10  }
0x10: {  	s10 =	sadd.s32 s17, s10;
	s11 =	sadd.s32 s16, s12;
	s12 =	sadd.s32 s17, s12  }
0x11: {  	s16 =	sadd.s32 s19, s16;
	s17 =	sadd.s32 s19, s17;
	s19 =	simm.s32 $0xFC00  }
0x12: {  	s16 =	sadd.s32 s20, s16;
	s17 =	sadd.s32 s20, s17;
	s20 =	simm.s32 $0x2  }
0x13: {  	s16 =	sadd.s32 s21, s16;
	s17 =	sadd.s32 s21, s17;
	s21 =	simm.s32 $0x3  }
.LBB2_1:
0x14: {  	[tilespmem:s2], [sflag:$0x1] =	stream.linear.gather [hbm4b:s3+s2], $0xFC00, $0x38;
	[tilespmem:$0x1FC00] =	vst v63  }
0x15: {  	_ =	swait.ge [sflag:s18], $0xFC00  }
0x16: {  	[sflag:s18] =	ssyncset.done $0x0  }
0x17: {  	[sflag:s18] =	ssyncadd.s32 $0xFFFF0400  }
0x18: {  	[hbm4b:s4+s2] =	stream.linear.scatter [tilespmem:s2], [sflag:$0x3], $0xFC00, $0x38;
	[tilespmem:$0x1FC00] =	vst v63  }
0x19: {  	_ = 	snop  }
0x1a: {  	[tilespmem:s19], [sflag:$0x2] =	stream.linear.gather [hbm4b:s5+s2], $0xFC00, $0x38;
	[tilespmem:$0x1FC00] =	vst v63  }
0x1b: {  	_ =	swait.ge [sflag:s20], $0xFC00  }
0x1c: {  	[sflag:s20] =	ssyncset.done $0x0  }
0x1d: {  	[sflag:s20] =	ssyncadd.s32 $0xFFFF0400  }
0x1e: {  	[hbm4b:s6+s2] =	stream.linear.scatter [tilespmem:s19], [sflag:$0x4], $0xFC00, $0x38;
	[tilespmem:$0x1FC00] =	vst v63  }
0x1f: {  	_ =	swait.ge [sflag:s21], $0xFC00  }
0x20: {  	[sflag:s21] =	ssyncset.done $0x0  }
0x21: {  	[sflag:s21] =	ssyncadd.s32 $0xFFFF0400  }
0x22: {  	[tilespmem:s2], [sflag:$0x1] =	stream.linear.gather [hbm4b:s7+s2], $0xFC00, $0x38;
	[tilespmem:$0x1FC00] =	vst v63  }
0x23: {  	_ =	swait.ge [sflag:s18], $0xFC00  }
0x24: {  	s24 =	sadd.s32 $0x0, s17;
	[sflag:s18] =	ssyncset.done $0x0  }
0x25: {  	s25 =	sadd.s32 $0x3F00, s24;
	[sflag:s18] =	ssyncadd.s32 $0xFFFF0400  }
0x26: {  	[hbm4b:s25+s2] =	stream.linear.scatter [tilespmem:s2], [sflag:$0x3], $0xFC00, $0x38;
	[tilespmem:$0x1FC00] =	vst v63  }
0x27: {  	_ =	swait.ge [sflag:s22], $0xFC00  }
0x28: {  	s31 =	sadd.s32 $0x0, s16;
	[sflag:s22] =	ssyncset.done $0x0  }
0x29: {  	s26 =	sadd.s32 $0x5E80, s31;
	[sflag:s22] =	ssyncadd.s32 $0xFFFF0400  }
0x2a: {  	[tilespmem:s19], [sflag:$0x2] =	stream.linear.gather [hbm4b:s26+s2], $0xFC00, $0x38;
	[tilespmem:$0x1FC00] =	vst v63  }
0x2b: {  	_ =	swait.ge [sflag:s20], $0xFC00  }
0x2c: {  	[sflag:s20] =	ssyncset.done $0x0  }
0x2d: {  	s24 =	sadd.s32 $0x5E80, s24;
	[sflag:s20] =	ssyncadd.s32 $0xFFFF0400  }
0x2e: {  	[hbm4b:s24+s2] =	stream.linear.scatter [tilespmem:s19], [sflag:$0x4], $0xFC00, $0x38;
	[tilespmem:$0x1FC00] =	vst v63  }
0x2f: {  	_ =	swait.ge [sflag:s21], $0xFC00  }
0x30: {  	[sflag:s21] =	ssyncset.done $0x0  }
0x31: {  	s25 =	sadd.s32 $0x7E00, s31;
	s24 =	simm.s32 $0x3F00;
	[sflag:s21] =	ssyncadd.s32 $0xFFFF0400  }
.LBB2_2:
0x32: {  	[tilespmem:s2], [sflag:$0x1] =	stream.linear.gather [hbm4b:s25+s2], $0xFC00, $0x38;
	[tilespmem:$0x1FC00] =	vst v63  }
0x33: {  	s25 =	smov.u32 s24  }
0x34: {  	p1 =	sne.s32 s24, $0x2F400;
	s24 =	sadd.s32 $0x3F00, s24;
	_ =	swait.ge [sflag:s18], $0xFC00  }
0x35: {  	s26 =	sadd.s32 s25, s17;
	[sflag:s18] =	ssyncset.done $0x0  }
0x36: {  	s28 =	sadd.s32 $0x3F00, s26;
	[sflag:s18] =	ssyncadd.s32 $0xFFFF0400  }
0x37: {  	[hbm4b:s28+s2] =	stream.linear.scatter [tilespmem:s2], [sflag:$0x3], $0xFC00, $0x38;
	[tilespmem:$0x1FC00] =	vst v63  }
0x38: {  	_ =	swait.ge [sflag:s22], $0xFC00  }
0x39: {  	s25 =	sadd.s32 s25, s16;
	[sflag:s22] =	ssyncset.done $0x0  }
0x3a: {  	s28 =	sadd.s32 $0x5E80, s25;
	[sflag:s22] =	ssyncadd.s32 $0xFFFF0400  }
0x3b: {  	[tilespmem:s19], [sflag:$0x2] =	stream.linear.gather [hbm4b:s28+s2], $0xFC00, $0x38;
	[tilespmem:$0x1FC00] =	vst v63  }
0x3c: {  	_ =	swait.ge [sflag:s20], $0xFC00  }
0x3d: {  	[sflag:s20] =	ssyncset.done $0x0  }
.Ltmp0:
0x3e: {  	s26 =	sadd.s32 $0x5E80, s26;
	[sflag:s20] =	ssyncadd.s32 $0xFFFF0400;
	(pc) =	sbr.rel @p1 .LBB2_2-.Ltmp0, $4  }
0x3f: {  	[hbm4b:s26+s2] =	stream.linear.scatter [tilespmem:s19], [sflag:$0x4], $0xFC00, $0x38;
	[tilespmem:$0x1FC00] =	vst v63  }
0x40: {  	_ =	swait.ge [sflag:s21], $0xFC00  }
0x41: {  	[sflag:s21] =	ssyncset.done $0x0  }
0x42: {  	s25 =	sadd.s32 $0x7E00, s25;
	[sflag:s21] =	ssyncadd.s32 $0xFFFF0400  }
0x43: {  	[tilespmem:s2], [sflag:$0x1] =	stream.linear.gather [hbm4b:s25+s2], $0xFC00, $0x38;
	[tilespmem:$0x1FC00] =	vst v63  }
0x44: {  	_ =	swait.ge [sflag:s18], $0xFC00  }
0x45: {  	[sflag:s18] =	ssyncset.done $0x0  }
0x46: {  	[sflag:s18] =	ssyncadd.s32 $0xFFFF0400  }
0x47: {  	[hbm4b:s8+s2] =	stream.linear.scatter [tilespmem:s2], [sflag:$0x3], $0xFC00, $0x38;
	[tilespmem:$0x1FC00] =	vst v63  }
0x48: {  	_ =	swait.ge [sflag:s22], $0xFC00  }
0x49: {  	[sflag:s22] =	ssyncset.done $0x0  }
0x4a: {  	[sflag:s22] =	ssyncadd.s32 $0xFFFF0400  }
0x4b: {  	[tilespmem:s19], [sflag:$0x2] =	stream.linear.gather [hbm4b:s9+s2], $0xFC00, $0x38;
	[tilespmem:$0x1FC00] =	vst v63  }
0x4c: {  	_ =	swait.ge [sflag:s20], $0xFC00  }
0x4d: {  	[sflag:s20] =	ssyncset.done $0x0  }
0x4e: {  	[sflag:s20] =	ssyncadd.s32 $0xFFFF0400  }
0x4f: {  	[hbm4b:s10+s2] =	stream.linear.scatter [tilespmem:s19], [sflag:$0x4], $0xFC00, $0x38;
	[tilespmem:$0x1FC00] =	vst v63  }
0x50: {  	_ =	swait.ge [sflag:s21], $0xFC00  }
0x51: {  	[sflag:s21] =	ssyncset.done $0x0  }
0x52: {  	[sflag:s21] =	ssyncadd.s32 $0xFFFF0400  }
0x53: {  	[tilespmem:s2], [sflag:$0x1] =	stream.linear.gather [hbm4b:s11+s2], $0xFC00, $0x38;
	[tilespmem:$0x1FC00] =	vst v63  }
0x54: {  	_ =	swait.ge [sflag:s18], $0xFC00  }
0x55: {  	[sflag:s18] =	ssyncset.done $0x0  }
0x56: {  	[sflag:s18] =	ssyncadd.s32 $0xFFFF0400  }
0x57: {  	[hbm4b:s12+s2] =	stream.linear.scatter [tilespmem:s2], [sflag:$0x3], $0xFC00, $0x38;
	[tilespmem:$0x1FC00] =	vst v63  }
0x58: {  	_ =	swait.ge [sflag:s22], $0xFC00  }
0x59: {  	[sflag:s22] =	ssyncset.done $0x0  }
0x5a: {  	[sflag:s22] =	ssyncadd.s32 $0xFFFF0400  }
0x5b: {  	_ =	swait.ge [sflag:s21], $0xFC00  }
0x5c: {  	s24 =	simm.s32 @!p0 $0x0;
	[sflag:s21] =	ssyncset.done $0x0  }
0x5d: {  	s25 =	simm.s32 @!p0 $0x1F800;
	s26 =	simm.s32 @!p0 $0x1;
	[sflag:s21] =	ssyncadd.s32 $0xFFFF0400  }
0x5e: {  	[tilespmem:s25], [sflag:$0x1] =	stream.linear.gather @!p0 [hbm4b:s13+s24], $0x400, $0x38;
	[tilespmem:$0x1FC00] =	vst v63  }
0x5f: {  	_ =	swait.ge @!p0 [sflag:s26], $0x400  }
0x60: {  	s23 =	sadd.s32 $0x1, s23;
	[sflag:s26] =	ssyncset.done @!p0 $0x0  }
0x61: {  	p1 =	sne.s32 s23, s15;
	[sflag:s26] =	ssyncadd.s32 @!p0 $0xFFFFFC00  }
0x62: {  	[hbm4b:s14+s24] =	stream.linear.scatter @!p0 [tilespmem:s25], [sflag:$0x3], $0x400, $0x38;
	[tilespmem:$0x1FC00] =	vst v63  }
.Ltmp1:
0x63: {  	_ = 	snop;
	(pc) =	sbr.rel @p1 .LBB2_1-.Ltmp1, $4  }
0x64: {  	s24 =	simm.s32 @!p0 $0x3  }
0x65: {  	_ =	swait.ge @!p0 [sflag:s24], $0x400  }
0x66: {  	[sflag:s24] =	ssyncset.done @!p0 $0x0  }
0x67: {  	[sflag:s24] =	ssyncadd.s32 @!p0 $0xFFFFFC00  }
0x68: {  	_ =	sfence.sel $0x180000  }
0x69: {  	[bflag:$0x0] =	sbarrier.arrive $0xFFFF  }
0x6a: {  	p0 =	sne.s32 s0, $0x0;
	_ =	strace $0x90000047  }
0x6b: {  	s0 =	sadd.s32 @!p0 $0x100000, s1;
	[bflag:$0x2] =	sbarrier.arrive $0xFFFF  }
0x6c: {  	[sflag:s0] =	ssyncadd.tile.s32 @!p0 $0x1;
	_ =	shalt  }
.Lfunc_end2:
_tile_overlayer_lowered:
.L_overlay_start_2:
0x6d: {  	(tag) =	ssettag $0x2  }
0x6e: {  	s0 =	rddreg [dreg:$0x0];
	s2 =	stileid.u32  }
0x6f: {  	s1 =	rddreg [dreg:$0x1];
	p0 =	sne.s32 s2, $0x0  }
0x70: {  	s3 =	rddreg [dreg:$0x2];
	[bflag:$0x3] =	sbarrier.arrive $0xFFFF;
	s2 =	simm.s32 @!p0 $0x1C05  }
0x71: {  	[timem:s3], [sflag:s2] =	dma.local @!p0 [hbm:s0], s1  }
0x72: {  	s0 =	simm.s32 @!p0 $0x5  }
0x73: {  	_ =	swait.ge @!p0 [sflag:s0], s1  }
0x74: {  	s1 =	ssub.s32 @!p0 $0x0, s1;
	[sflag:s0] =	ssyncset.done @!p0 $0x0  }
0x75: {  	[sflag:s0] =	ssyncadd.s32 @!p0 s1  }
0x76: {  	[bflag:$0x3] =	sbarrier.arrive $0xFFFF  }
0x77: {  	_ =	shalt  }

</sc_bundles>
